<compile_context>
chip_gen: v7x
topology: tpu7x:2x2x1
jax: 0.10.2.dev20260603
libtpu: 0.0.44.dev20260713+nightly
codegen_flags: <defaults>
</compile_context>

<pallas_src>
import jax
import jax.numpy as jnp
from jax import lax
from jax.experimental import pallas as pl
from jax.experimental.pallas import tpu as pltpu
from jax.experimental.pallas import tpu_sc as plsc

ROWS = 16384
NUM_ROWS_W = 1000000
COLS = 50
DIM = 32
SCALE = 10.0
LANES = 128

NC = 2
NS = 16
NW = NC * NS
IBLK = ROWS // LANES
IB_PER_W = IBLK // NW
PAIRS = COLS // 2


def _sc_body(xf_hbm, w_hbm, out5_hbm, xblk,
             cidx0, cidx1, gbuf0, gbuf1, tbuf0, tbuf1,
             gsem0, gsem1, osem0, osem1):
    wid = lax.axis_index("s") * NC + lax.axis_index("c")
    iota = lax.iota(jnp.int32, 16)
    cidx = (cidx0, cidx1)
    gbuf = (gbuf0, gbuf1)
    tbuf = (tbuf0, tbuf1)
    gsem = (gsem0, gsem1)
    osem = (osem0, osem1)

    def build_cidx(s, j1):
        for k in range(8):
            flat = (k * 16 + iota) * LANES + j1
            v = plsc.load_gather(xblk, [flat])
            g = ((v & ~(TBLK - 1)) + ((v & (TBLK // 4 - 1)) << 2)
                 + ((v >> 13) & 3))
            cidx[s][pl.ds(k * 16, 16)] = g

    def fire_gather(s):
        pltpu.async_copy(w_hbm.at[cidx[s]], gbuf[s], gsem[s])

    def wait_gather(s):
        pltpu.make_async_copy(w_hbm.at[cidx[s]], gbuf[s], gsem[s]).wait()

    def transpose(s):
        def r_body(r, c3):
            rvec = jnp.full((16,), 0, jnp.int32) + r
            for h in range(2):
                vals = gbuf[s][r, pl.ds(16 * h, 16)]
                plsc.store_scatter(tbuf[s], [16 * h + iota, rvec], vals)
            return c3

        lax.fori_loop(0, LANES, r_body, 0)

    def fire_out(s, j1, c):
        for r in range(4):
            pltpu.async_copy(tbuf[s].at[pl.ds(r * 8, 8), pl.ds(0, LANES)],
                             out5_hbm.at[j1, r, c], osem[s])

    def drain_out(s):
        for r in range(4):
            pltpu.make_async_copy(
                tbuf[s].at[pl.ds(r * 8, 8), pl.ds(0, LANES)],
                out5_hbm.at[0, 0, 0], osem[s]).wait()

    def iblk_body(ib, carry):
        c = wid * IB_PER_W + ib
        pltpu.sync_copy(
            xf_hbm.at[pl.ds(c * LANES * LANES, LANES * LANES)], xblk)
        build_cidx(0, 0)
        fire_gather(0)

        def pair(t, carry2):
            j1a = 2 * t
            j1b = 2 * t + 1
            build_cidx(1, j1b)
            fire_gather(1)
            wait_gather(0)

            @pl.when(t > 0)
            def _():
                drain_out(0)

            transpose(0)
            fire_out(0, j1a, c)

            @pl.when(t < PAIRS - 1)
            def _():
                build_cidx(0, j1a + 2)
                fire_gather(0)

            wait_gather(1)

            @pl.when(t > 0)
            def _():
                drain_out(1)

            transpose(1)
            fire_out(1, j1b, c)
            return carry2

        lax.fori_loop(0, PAIRS, pair, 0)
        drain_out(0)
        drain_out(1)
        return carry

    lax.fori_loop(0, IB_PER_W, iblk_body, 0)


TBLK = 32768
TGRID = -(-NUM_ROWS_W // TBLK)
WROWS = TGRID * TBLK


def _tc_relayout_body(wt_ref, out_ref):
    q = TBLK // 4
    for m in range(4):
        out_ref[:, 32 * m:32 * (m + 1)] = (
            wt_ref[:, q * m:q * (m + 1)].T * SCALE)


def _relayout_weight(weight):
    w_rm = pl.pallas_call(
        _tc_relayout_body,
        grid=(TGRID,),
        in_specs=[pl.BlockSpec((DIM, TBLK), lambda i: (0, i))],
        out_specs=pl.BlockSpec((TBLK // 4, LANES), lambda i: (i, 0)),
        out_shape=jax.ShapeDtypeStruct((WROWS // 4, LANES), jnp.float32),
    )(weight.T)
    return w_rm.reshape(WROWS, DIM)


def kernel(x, weight):
    xf = jnp.pad(x.astype(jnp.int32), ((0, 0), (0, LANES - COLS))).reshape(-1)
    w_lin = _relayout_weight(weight)
    mesh = plsc.VectorSubcoreMesh(core_axis_name="c", subcore_axis_name="s")
    out5 = pl.kernel(
        _sc_body,
        out_type=jax.ShapeDtypeStruct((COLS, DIM // 8, IBLK, 8, LANES),
                                      jnp.float32),
        mesh=mesh,
        scratch_types=[
            pltpu.VMEM((LANES * LANES,), jnp.int32),
            pltpu.VMEM((LANES,), jnp.int32),
            pltpu.VMEM((LANES,), jnp.int32),
            pltpu.VMEM((LANES, DIM), jnp.float32),
            pltpu.VMEM((LANES, DIM), jnp.float32),
            pltpu.VMEM((DIM, LANES + 1), jnp.float32),
            pltpu.VMEM((DIM, LANES + 1), jnp.float32),
            pltpu.SemaphoreType.DMA,
            pltpu.SemaphoreType.DMA,
            pltpu.SemaphoreType.DMA,
            pltpu.SemaphoreType.DMA,
        ],
        compiler_params=pltpu.CompilerParams(use_tc_tiling_on_sc=False,
                                             needs_layout_passes=False),
    )(xf, w_lin)
    return out5.transpose((2, 4, 0, 1, 3)).reshape(ROWS, COLS, DIM)

# --- scband reference (transcript-rebuilt; emitter-appended) ---
"""Pipeline reference for scband-scaled-embedding-86852828660498 (READ-ONLY COPY).

The authoritative reference and input builder live on the scoring server;
editing this copy changes nothing except your own understanding.
"""

import jax, jax.numpy as jnp
import numpy as np

NUM_EMBEDDINGS = 1000000
EMBEDDING_DIM = 32
SCALE = 10.0


def setup_inputs(seed: int = 0) -> dict:
    key = jax.random.key(seed)
    k_idx, k_w = jax.random.split(key)
    x = jax.random.randint(k_idx, (16384, 50), 0, NUM_EMBEDDINGS, dtype=jnp.int64) if jax.config.jax_enable_x64 else jax.random.randint(k_idx, (16384, 50), 0, NUM_EMBEDDINGS, dtype=jnp.int32)
    # nn.Embedding init: N(0, 1); then weight.data /= scale (smooth=False)
    weight = jax.random.normal(k_w, (NUM_EMBEDDINGS, EMBEDDING_DIM), dtype=jnp.float32) / SCALE
    return {"x": x, "weight": weight}


def reference(x, weight):
    # out = embedding(x) * scale
    out = jnp.take(weight, x, axis=0) * SCALE
    return out

if __name__ == "__main__":
    import jax
    _d = setup_inputs()
    print(jax.jit(kernel)(*tuple(_d.values())))

</pallas_src>

<mosaic_0001>
#map = affine_map<(d0, d1) -> (0)>
#map1 = affine_map<(d0, d1) -> (0, 0)>
#map2 = affine_map<(d0, d1) -> (0, 0, 0, 0, 0)>
module attributes {stable_mosaic.version = 14 : i64} {
  func.func @_sc_body(%arg0: i32, %arg1: i32, %arg2: memref<2097152xi32, #tpu.memory_space<hbm>>, %arg3: memref<1015808x32xf32, #tpu.memory_space<hbm>>, %arg4: memref<50x4x128x8x128xf32, #tpu.memory_space<hbm>>, %arg5: memref<16384xi32, #tpu.memory_space<vmem>>, %arg6: memref<128xi32, #tpu.memory_space<vmem>>, %arg7: memref<128xi32, #tpu.memory_space<vmem>>, %arg8: memref<128x32xf32, #tpu.memory_space<vmem>>, %arg9: memref<128x32xf32, #tpu.memory_space<vmem>>, %arg10: memref<32x129xf32, #tpu.memory_space<vmem>>, %arg11: memref<32x129xf32, #tpu.memory_space<vmem>>, %arg12: memref<!tpu.dma_semaphore, #tpu.memory_space<semaphore_mem>>, %arg13: memref<!tpu.dma_semaphore, #tpu.memory_space<semaphore_mem>>, %arg14: memref<!tpu.dma_semaphore, #tpu.memory_space<semaphore_mem>>, %arg15: memref<!tpu.dma_semaphore, #tpu.memory_space<semaphore_mem>>) attributes {dimension_semantics = [#tpu.dimension_semantics<core_parallel>, #tpu.dimension_semantics<subcore_parallel>], iteration_bounds = array<i64: 2, 16>, scalar_prefetch = 0 : i64, scratch_operands = 11 : i64, tpu.core_type = #tpu.core_type<sc_vector_subcore>, window_params = [{transform_indices = #map}, {transform_indices = #map1}, {transform_indices = #map2}]} {
    %mul3A = arith.constant 2 : i32
    %mul3A_0 = arith.muli %arg1, %mul3A : i32
    %add3A = arith.addi %mul3A_0, %arg0 : i32
    %iota3A = tpu.iota {dimensions = array<i32: 0>} : vector<16xi32>
    %scan3A = arith.constant 0 : i32
    %scan3A_1 = arith.constant 0 : i32
    %scan3A_2 = arith.constant 4 : i32
    %scan3A_3 = arith.addi %scan3A_1, %scan3A_2 : i32
    %scan3A_4 = arith.constant 1 : i32
    scf.for %scan3A_6 = %scan3A_1 to %scan3A_3 step %scan3A_4  : i32 {
      %mul3A_7 = arith.constant 4 : i32
      %mul3A_8 = arith.muli %add3A, %mul3A_7 : i32
      %add3A_9 = arith.addi %mul3A_8, %scan3A_6 : i32
      %mul3A_10 = arith.constant 128 : i32
      %mul3A_11 = arith.muli %add3A_9, %mul3A_10 : i32
      %mul3A_12 = arith.constant 128 : i32
      %mul3A_13 = arith.muli %mul3A_11, %mul3A_12 : i32
      "tpu.region"() ({
        %run_scoped3A = tpu.sem_alloc : memref<!tpu.dma_semaphore, #tpu.memory_space<semaphore_mem>>
        %dma_start3A_384 = tpu.memref_slice %arg2[%mul3A_13] : memref<2097152xi32, #tpu.memory_space<hbm>> -> memref<16384xi32, #tpu.memory_space<hbm>>
        %dma_start3A_385 = tpu.memref_slice %arg2[%mul3A_13] : memref<2097152xi32, #tpu.memory_space<hbm>> -> memref<16384xi32, #tpu.memory_space<hbm>>
        tpu.enqueue_dma source(%dma_start3A_385 : memref<16384xi32, #tpu.memory_space<hbm>>) target(%arg5 : memref<16384xi32, #tpu.memory_space<vmem>>) target_semaphore(%run_scoped3A : memref<!tpu.dma_semaphore, #tpu.memory_space<semaphore_mem>>)
        %dma_wait3A_386 = tpu.memref_slice %arg2[%mul3A_13] : memref<2097152xi32, #tpu.memory_space<hbm>> -> memref<16384xi32, #tpu.memory_space<hbm>>
        %dma_wait3A_387 = tpu.memref_slice %arg2[%mul3A_13] : memref<2097152xi32, #tpu.memory_space<hbm>> -> memref<16384xi32, #tpu.memory_space<hbm>>
        tpu.wait_dma2 semaphore(%run_scoped3A : memref<!tpu.dma_semaphore, #tpu.memory_space<semaphore_mem>>) src(%dma_wait3A_387 : memref<16384xi32, #tpu.memory_space<hbm>>) dst(%arg5 : memref<16384xi32, #tpu.memory_space<vmem>>)
        tpu.yield
      }) : () -> ()
      %add3A_14 = arith.constant 0 : i32
      %add3A_15 = vector.broadcast %add3A_14 : i32 to vector<16xi32>
      %add3A_16 = arith.addi %add3A_15, %iota3A : vector<16xi32>
      %mul3A_17 = arith.constant 128 : i32
      %mul3A_18 = vector.broadcast %mul3A_17 : i32 to vector<16xi32>
      %mul3A_19 = arith.muli %add3A_16, %mul3A_18 : vector<16xi32>
      %add3A_20 = arith.constant 0 : i32
      %add3A_21 = vector.broadcast %add3A_20 : i32 to vector<16xi32>
      %add3A_22 = arith.addi %mul3A_19, %add3A_21 : vector<16xi32>
      %gather3A = tpu.vector_load_idx %arg5[%add3A_22] : memref<16384xi32, #tpu.memory_space<vmem>>[vector<16xi32>], vector<16xi32>,
      %and3A = arith.constant -32768 : i32
      %and3A_23 = vector.broadcast %and3A : i32 to vector<16xi32>
      %and3A_24 = arith.andi %gather3A, %and3A_23 : vector<16xi32>
      %and3A_25 = arith.constant 8191 : i32
      %and3A_26 = vector.broadcast %and3A_25 : i32 to vector<16xi32>
      %and3A_27 = arith.andi %gather3A, %and3A_26 : vector<16xi32>
      %shift_left3A = arith.constant 2 : i32
      %shift_left3A_28 = vector.broadcast %shift_left3A : i32 to vector<16xi32>
      %shift_left3A_29 = arith.shli %and3A_27, %shift_left3A_28 : vector<16xi32>
      %add3A_30 = arith.addi %and3A_24, %shift_left3A_29 : vector<16xi32>
      %shift_right_arithmetic3A = arith.constant 13 : i32
      %shift_right_arithmetic3A_31 = vector.broadcast %shift_right_arithmetic3A : i32 to vector<16xi32>
      %shift_right_arithmetic3A_32 = arith.shrsi %gather3A, %shift_right_arithmetic3A_31 : vector<16xi32>
      %and3A_33 = arith.constant 3 : i32
      %and3A_34 = vector.broadcast %and3A_33 : i32 to vector<16xi32>
      %and3A_35 = arith.andi %shift_right_arithmetic3A_32, %and3A_34 : vector<16xi32>
      %add3A_36 = arith.addi %add3A_30, %and3A_35 : vector<16xi32>
      %swap3A = arith.constant 0 : index
      %swap3A_37 = tpu.vector_load %arg6[%swap3A] {strides = array<i32>} : memref<128xi32, #tpu.memory_space<vmem>>, vector<16xi32>,
      tpu.vector_store %arg6[%swap3A], %add3A_36 {strides = array<i32>} : memref<128xi32, #tpu.memory_space<vmem>>, vector<16xi32>,
      %add3A_38 = arith.constant 16 : i32
      %add3A_39 = vector.broadcast %add3A_38 : i32 to vector<16xi32>
      %add3A_40 = arith.addi %add3A_39, %iota3A : vector<16xi32>
      %mul3A_41 = arith.constant 128 : i32
      %mul3A_42 = vector.broadcast %mul3A_41 : i32 to vector<16xi32>
      %mul3A_43 = arith.muli %add3A_40, %mul3A_42 : vector<16xi32>
      %add3A_44 = arith.constant 0 : i32
      %add3A_45 = vector.broadcast %add3A_44 : i32 to vector<16xi32>
      %add3A_46 = arith.addi %mul3A_43, %add3A_45 : vector<16xi32>
      %gather3A_47 = tpu.vector_load_idx %arg5[%add3A_46] : memref<16384xi32, #tpu.memory_space<vmem>>[vector<16xi32>], vector<16xi32>,
      %and3A_48 = arith.constant -32768 : i32
      %and3A_49 = vector.broadcast %and3A_48 : i32 to vector<16xi32>
      %and3A_50 = arith.andi %gather3A_47, %and3A_49 : vector<16xi32>
      %and3A_51 = arith.constant 8191 : i32
      %and3A_52 = vector.broadcast %and3A_51 : i32 to vector<16xi32>
      %and3A_53 = arith.andi %gather3A_47, %and3A_52 : vector<16xi32>
      %shift_left3A_54 = arith.constant 2 : i32
      %shift_left3A_55 = vector.broadcast %shift_left3A_54 : i32 to vector<16xi32>
      %shift_left3A_56 = arith.shli %and3A_53, %shift_left3A_55 : vector<16xi32>
      %add3A_57 = arith.addi %and3A_50, %shift_left3A_56 : vector<16xi32>
      %shift_right_arithmetic3A_58 = arith.constant 13 : i32
      %shift_right_arithmetic3A_59 = vector.broadcast %shift_right_arithmetic3A_58 : i32 to vector<16xi32>
      %shift_right_arithmetic3A_60 = arith.shrsi %gather3A_47, %shift_right_arithmetic3A_59 : vector<16xi32>
      %and3A_61 = arith.constant 3 : i32
      %and3A_62 = vector.broadcast %and3A_61 : i32 to vector<16xi32>
      %and3A_63 = arith.andi %shift_right_arithmetic3A_60, %and3A_62 : vector<16xi32>
      %add3A_64 = arith.addi %add3A_57, %and3A_63 : vector<16xi32>
      %swap3A_65 = arith.constant 16 : index
      %swap3A_66 = tpu.vector_load %arg6[%swap3A_65] {strides = array<i32>} : memref<128xi32, #tpu.memory_space<vmem>>, vector<16xi32>,
      tpu.vector_store %arg6[%swap3A_65], %add3A_64 {strides = array<i32>} : memref<128xi32, #tpu.memory_space<vmem>>, vector<16xi32>,
      %add3A_67 = arith.constant 32 : i32
      %add3A_68 = vector.broadcast %add3A_67 : i32 to vector<16xi32>
      %add3A_69 = arith.addi %add3A_68, %iota3A : vector<16xi32>
      %mul3A_70 = arith.constant 128 : i32
      %mul3A_71 = vector.broadcast %mul3A_70 : i32 to vector<16xi32>
      %mul3A_72 = arith.muli %add3A_69, %mul3A_71 : vector<16xi32>
      %add3A_73 = arith.constant 0 : i32
      %add3A_74 = vector.broadcast %add3A_73 : i32 to vector<16xi32>
      %add3A_75 = arith.addi %mul3A_72, %add3A_74 : vector<16xi32>
      %gather3A_76 = tpu.vector_load_idx %arg5[%add3A_75] : memref<16384xi32, #tpu.memory_space<vmem>>[vector<16xi32>], vector<16xi32>,
      %and3A_77 = arith.constant -32768 : i32
      %and3A_78 = vector.broadcast %and3A_77 : i32 to vector<16xi32>
      %and3A_79 = arith.andi %gather3A_76, %and3A_78 : vector<16xi32>
      %and3A_80 = arith.constant 8191 : i32
      %and3A_81 = vector.broadcast %and3A_80 : i32 to vector<16xi32>
      %and3A_82 = arith.andi %gather3A_76, %and3A_81 : vector<16xi32>
      %shift_left3A_83 = arith.constant 2 : i32
      %shift_left3A_84 = vector.broadcast %shift_left3A_83 : i32 to vector<16xi32>
      %shift_left3A_85 = arith.shli %and3A_82, %shift_left3A_84 : vector<16xi32>
      %add3A_86 = arith.addi %and3A_79, %shift_left3A_85 : vector<16xi32>
      %shift_right_arithmetic3A_87 = arith.constant 13 : i32
      %shift_right_arithmetic3A_88 = vector.broadcast %shift_right_arithmetic3A_87 : i32 to vector<16xi32>
      %shift_right_arithmetic3A_89 = arith.shrsi %gather3A_76, %shift_right_arithmetic3A_88 : vector<16xi32>
      %and3A_90 = arith.constant 3 : i32
      %and3A_91 = vector.broadcast %and3A_90 : i32 to vector<16xi32>
      %and3A_92 = arith.andi %shift_right_arithmetic3A_89, %and3A_91 : vector<16xi32>
      %add3A_93 = arith.addi %add3A_86, %and3A_92 : vector<16xi32>
      %swap3A_94 = arith.constant 32 : index
      %swap3A_95 = tpu.vector_load %arg6[%swap3A_94] {strides = array<i32>} : memref<128xi32, #tpu.memory_space<vmem>>, vector<16xi32>,
      tpu.vector_store %arg6[%swap3A_94], %add3A_93 {strides = array<i32>} : memref<128xi32, #tpu.memory_space<vmem>>, vector<16xi32>,
      %add3A_96 = arith.constant 48 : i32
      %add3A_97 = vector.broadcast %add3A_96 : i32 to vector<16xi32>
      %add3A_98 = arith.addi %add3A_97, %iota3A : vector<16xi32>
      %mul3A_99 = arith.constant 128 : i32
      %mul3A_100 = vector.broadcast %mul3A_99 : i32 to vector<16xi32>
      %mul3A_101 = arith.muli %add3A_98, %mul3A_100 : vector<16xi32>
      %add3A_102 = arith.constant 0 : i32
      %add3A_103 = vector.broadcast %add3A_102 : i32 to vector<16xi32>
      %add3A_104 = arith.addi %mul3A_101, %add3A_103 : vector<16xi32>
      %gather3A_105 = tpu.vector_load_idx %arg5[%add3A_104] : memref<16384xi32, #tpu.memory_space<vmem>>[vector<16xi32>], vector<16xi32>,
      %and3A_106 = arith.constant -32768 : i32
      %and3A_107 = vector.broadcast %and3A_106 : i32 to vector<16xi32>
      %and3A_108 = arith.andi %gather3A_105, %and3A_107 : vector<16xi32>
      %and3A_109 = arith.constant 8191 : i32
      %and3A_110 = vector.broadcast %and3A_109 : i32 to vector<16xi32>
      %and3A_111 = arith.andi %gather3A_105, %and3A_110 : vector<16xi32>
      %shift_left3A_112 = arith.constant 2 : i32
      %shift_left3A_113 = vector.broadcast %shift_left3A_112 : i32 to vector<16xi32>
      %shift_left3A_114 = arith.shli %and3A_111, %shift_left3A_113 : vector<16xi32>
      %add3A_115 = arith.addi %and3A_108, %shift_left3A_114 : vector<16xi32>
      %shift_right_arithmetic3A_116 = arith.constant 13 : i32
      %shift_right_arithmetic3A_117 = vector.broadcast %shift_right_arithmetic3A_116 : i32 to vector<16xi32>
      %shift_right_arithmetic3A_118 = arith.shrsi %gather3A_105, %shift_right_arithmetic3A_117 : vector<16xi32>
      %and3A_119 = arith.constant 3 : i32
      %and3A_120 = vector.broadcast %and3A_119 : i32 to vector<16xi32>
      %and3A_121 = arith.andi %shift_right_arithmetic3A_118, %and3A_120 : vector<16xi32>
      %add3A_122 = arith.addi %add3A_115, %and3A_121 : vector<16xi32>
      %swap3A_123 = arith.constant 48 : index
      %swap3A_124 = tpu.vector_load %arg6[%swap3A_123] {strides = array<i32>} : memref<128xi32, #tpu.memory_space<vmem>>, vector<16xi32>,
      tpu.vector_store %arg6[%swap3A_123], %add3A_122 {strides = array<i32>} : memref<128xi32, #tpu.memory_space<vmem>>, vector<16xi32>,
      %add3A_125 = arith.constant 64 : i32
      %add3A_126 = vector.broadcast %add3A_125 : i32 to vector<16xi32>
      %add3A_127 = arith.addi %add3A_126, %iota3A : vector<16xi32>
      %mul3A_128 = arith.constant 128 : i32
      %mul3A_129 = vector.broadcast %mul3A_128 : i32 to vector<16xi32>
      %mul3A_130 = arith.muli %add3A_127, %mul3A_129 : vector<16xi32>
      %add3A_131 = arith.constant 0 : i32
      %add3A_132 = vector.broadcast %add3A_131 : i32 to vector<16xi32>
      %add3A_133 = arith.addi %mul3A_130, %add3A_132 : vector<16xi32>
      %gather3A_134 = tpu.vector_load_idx %arg5[%add3A_133] : memref<16384xi32, #tpu.memory_space<vmem>>[vector<16xi32>], vector<16xi32>,
      %and3A_135 = arith.constant -32768 : i32
      %and3A_136 = vector.broadcast %and3A_135 : i32 to vector<16xi32>
      %and3A_137 = arith.andi %gather3A_134, %and3A_136 : vector<16xi32>
      %and3A_138 = arith.constant 8191 : i32
      %and3A_139 = vector.broadcast %and3A_138 : i32 to vector<16xi32>
      %and3A_140 = arith.andi %gather3A_134, %and3A_139 : vector<16xi32>
      %shift_left3A_141 = arith.constant 2 : i32
      %shift_left3A_142 = vector.broadcast %shift_left3A_141 : i32 to vector<16xi32>
      %shift_left3A_143 = arith.shli %and3A_140, %shift_left3A_142 : vector<16xi32>
      %add3A_144 = arith.addi %and3A_137, %shift_left3A_143 : vector<16xi32>
      %shift_right_arithmetic3A_145 = arith.constant 13 : i32
      %shift_right_arithmetic3A_146 = vector.broadcast %shift_right_arithmetic3A_145 : i32 to vector<16xi32>
      %shift_right_arithmetic3A_147 = arith.shrsi %gather3A_134, %shift_right_arithmetic3A_146 : vector<16xi32>
      %and3A_148 = arith.constant 3 : i32
      %and3A_149 = vector.broadcast %and3A_148 : i32 to vector<16xi32>
      %and3A_150 = arith.andi %shift_right_arithmetic3A_147, %and3A_149 : vector<16xi32>
      %add3A_151 = arith.addi %add3A_144, %and3A_150 : vector<16xi32>
      %swap3A_152 = arith.constant 64 : index
      %swap3A_153 = tpu.vector_load %arg6[%swap3A_152] {strides = array<i32>} : memref<128xi32, #tpu.memory_space<vmem>>, vector<16xi32>,
      tpu.vector_store %arg6[%swap3A_152], %add3A_151 {strides = array<i32>} : memref<128xi32, #tpu.memory_space<vmem>>, vector<16xi32>,
      %add3A_154 = arith.constant 80 : i32
      %add3A_155 = vector.broadcast %add3A_154 : i32 to vector<16xi32>
      %add3A_156 = arith.addi %add3A_155, %iota3A : vector<16xi32>
      %mul3A_157 = arith.constant 128 : i32
      %mul3A_158 = vector.broadcast %mul3A_157 : i32 to vector<16xi32>
      %mul3A_159 = arith.muli %add3A_156, %mul3A_158 : vector<16xi32>
      %add3A_160 = arith.constant 0 : i32
      %add3A_161 = vector.broadcast %add3A_160 : i32 to vector<16xi32>
      %add3A_162 = arith.addi %mul3A_159, %add3A_161 : vector<16xi32>
      %gather3A_163 = tpu.vector_load_idx %arg5[%add3A_162] : memref<16384xi32, #tpu.memory_space<vmem>>[vector<16xi32>], vector<16xi32>,
      %and3A_164 = arith.constant -32768 : i32
      %and3A_165 = vector.broadcast %and3A_164 : i32 to vector<16xi32>
      %and3A_166 = arith.andi %gather3A_163, %and3A_165 : vector<16xi32>
      %and3A_167 = arith.constant 8191 : i32
      %and3A_168 = vector.broadcast %and3A_167 : i32 to vector<16xi32>
      %and3A_169 = arith.andi %gather3A_163, %and3A_168 : vector<16xi32>
      %shift_left3A_170 = arith.constant 2 : i32
      %shift_left3A_171 = vector.broadcast %shift_left3A_170 : i32 to vector<16xi32>
      %shift_left3A_172 = arith.shli %and3A_169, %shift_left3A_171 : vector<16xi32>
      %add3A_173 = arith.addi %and3A_166, %shift_left3A_172 : vector<16xi32>
      %shift_right_arithmetic3A_174 = arith.constant 13 : i32
      %shift_right_arithmetic3A_175 = vector.broadcast %shift_right_arithmetic3A_174 : i32 to vector<16xi32>
      %shift_right_arithmetic3A_176 = arith.shrsi %gather3A_163, %shift_right_arithmetic3A_175 : vector<16xi32>
      %and3A_177 = arith.constant 3 : i32
      %and3A_178 = vector.broadcast %and3A_177 : i32 to vector<16xi32>
      %and3A_179 = arith.andi %shift_right_arithmetic3A_176, %and3A_178 : vector<16xi32>
      %add3A_180 = arith.addi %add3A_173, %and3A_179 : vector<16xi32>
      %swap3A_181 = arith.constant 80 : index
      %swap3A_182 = tpu.vector_load %arg6[%swap3A_181] {strides = array<i32>} : memref<128xi32, #tpu.memory_space<vmem>>, vector<16xi32>,
      tpu.vector_store %arg6[%swap3A_181], %add3A_180 {strides = array<i32>} : memref<128xi32, #tpu.memory_space<vmem>>, vector<16xi32>,
      %add3A_183 = arith.constant 96 : i32
      %add3A_184 = vector.broadcast %add3A_183 : i32 to vector<16xi32>
      %add3A_185 = arith.addi %add3A_184, %iota3A : vector<16xi32>
      %mul3A_186 = arith.constant 128 : i32
      %mul3A_187 = vector.broadcast %mul3A_186 : i32 to vector<16xi32>
      %mul3A_188 = arith.muli %add3A_185, %mul3A_187 : vector<16xi32>
      %add3A_189 = arith.constant 0 : i32
      %add3A_190 = vector.broadcast %add3A_189 : i32 to vector<16xi32>
      %add3A_191 = arith.addi %mul3A_188, %add3A_190 : vector<16xi32>
      %gather3A_192 = tpu.vector_load_idx %arg5[%add3A_191] : memref<16384xi32, #tpu.memory_space<vmem>>[vector<16xi32>], vector<16xi32>,
      %and3A_193 = arith.constant -32768 : i32
      %and3A_194 = vector.broadcast %and3A_193 : i32 to vector<16xi32>
      %and3A_195 = arith.andi %gather3A_192, %and3A_194 : vector<16xi32>
      %and3A_196 = arith.constant 8191 : i32
      %and3A_197 = vector.broadcast %and3A_196 : i32 to vector<16xi32>
      %and3A_198 = arith.andi %gather3A_192, %and3A_197 : vector<16xi32>
      %shift_left3A_199 = arith.constant 2 : i32
      %shift_left3A_200 = vector.broadcast %shift_left3A_199 : i32 to vector<16xi32>
      %shift_left3A_201 = arith.shli %and3A_198, %shift_left3A_200 : vector<16xi32>
      %add3A_202 = arith.addi %and3A_195, %shift_left3A_201 : vector<16xi32>
      %shift_right_arithmetic3A_203 = arith.constant 13 : i32
      %shift_right_arithmetic3A_204 = vector.broadcast %shift_right_arithmetic3A_203 : i32 to vector<16xi32>
      %shift_right_arithmetic3A_205 = arith.shrsi %gather3A_192, %shift_right_arithmetic3A_204 : vector<16xi32>
      %and3A_206 = arith.constant 3 : i32
      %and3A_207 = vector.broadcast %and3A_206 : i32 to vector<16xi32>
      %and3A_208 = arith.andi %shift_right_arithmetic3A_205, %and3A_207 : vector<16xi32>
      %add3A_209 = arith.addi %add3A_202, %and3A_208 : vector<16xi32>
      %swap3A_210 = arith.constant 96 : index
      %swap3A_211 = tpu.vector_load %arg6[%swap3A_210] {strides = array<i32>} : memref<128xi32, #tpu.memory_space<vmem>>, vector<16xi32>,
      tpu.vector_store %arg6[%swap3A_210], %add3A_209 {strides = array<i32>} : memref<128xi32, #tpu.memory_space<vmem>>, vector<16xi32>,
      %add3A_212 = arith.constant 112 : i32
      %add3A_213 = vector.broadcast %add3A_212 : i32 to vector<16xi32>
      %add3A_214 = arith.addi %add3A_213, %iota3A : vector<16xi32>
      %mul3A_215 = arith.constant 128 : i32
      %mul3A_216 = vector.broadcast %mul3A_215 : i32 to vector<16xi32>
      %mul3A_217 = arith.muli %add3A_214, %mul3A_216 : vector<16xi32>
      %add3A_218 = arith.constant 0 : i32
      %add3A_219 = vector.broadcast %add3A_218 : i32 to vector<16xi32>
      %add3A_220 = arith.addi %mul3A_217, %add3A_219 : vector<16xi32>
      %gather3A_221 = tpu.vector_load_idx %arg5[%add3A_220] : memref<16384xi32, #tpu.memory_space<vmem>>[vector<16xi32>], vector<16xi32>,
      %and3A_222 = arith.constant -32768 : i32
      %and3A_223 = vector.broadcast %and3A_222 : i32 to vector<16xi32>
      %and3A_224 = arith.andi %gather3A_221, %and3A_223 : vector<16xi32>
      %and3A_225 = arith.constant 8191 : i32
      %and3A_226 = vector.broadcast %and3A_225 : i32 to vector<16xi32>
      %and3A_227 = arith.andi %gather3A_221, %and3A_226 : vector<16xi32>
      %shift_left3A_228 = arith.constant 2 : i32
      %shift_left3A_229 = vector.broadcast %shift_left3A_228 : i32 to vector<16xi32>
      %shift_left3A_230 = arith.shli %and3A_227, %shift_left3A_229 : vector<16xi32>
      %add3A_231 = arith.addi %and3A_224, %shift_left3A_230 : vector<16xi32>
      %shift_right_arithmetic3A_232 = arith.constant 13 : i32
      %shift_right_arithmetic3A_233 = vector.broadcast %shift_right_arithmetic3A_232 : i32 to vector<16xi32>
      %shift_right_arithmetic3A_234 = arith.shrsi %gather3A_221, %shift_right_arithmetic3A_233 : vector<16xi32>
      %and3A_235 = arith.constant 3 : i32
      %and3A_236 = vector.broadcast %and3A_235 : i32 to vector<16xi32>
      %and3A_237 = arith.andi %shift_right_arithmetic3A_234, %and3A_236 : vector<16xi32>
      %add3A_238 = arith.addi %add3A_231, %and3A_237 : vector<16xi32>
      %swap3A_239 = arith.constant 112 : index
      %swap3A_240 = tpu.vector_load %arg6[%swap3A_239] {strides = array<i32>} : memref<128xi32, #tpu.memory_space<vmem>>, vector<16xi32>,
      tpu.vector_store %arg6[%swap3A_239], %add3A_238 {strides = array<i32>} : memref<128xi32, #tpu.memory_space<vmem>>, vector<16xi32>,
      %dma_start3A = arith.constant 0 : i32
      %dma_start3A_241 = arith.constant 0 : i32
      %dma_start3A_242 = tpu.memref_slice %arg3[%dma_start3A, %dma_start3A_241] : memref<1015808x32xf32, #tpu.memory_space<hbm>> -> memref<1015808x32xf32, #tpu.memory_space<hbm>>
      tpu.enqueue_indirect_dma source(%dma_start3A_242 : memref<1015808x32xf32, #tpu.memory_space<hbm>>) target(%arg8 : memref<128x32xf32, #tpu.memory_space<vmem>>) offsets(%arg6 : memref<128xi32, #tpu.memory_space<vmem>>) semaphore(%arg12 : memref<!tpu.dma_semaphore, #tpu.memory_space<semaphore_mem>>)
      %scan3A_243 = arith.constant 0 : i32
      %scan3A_244 = arith.constant 0 : i32
      %scan3A_245 = arith.constant 25 : i32
      %scan3A_246 = arith.addi %scan3A_244, %scan3A_245 : i32
      %scan3A_247 = arith.constant 1 : i32
      scf.for %scan3A_384 = %scan3A_244 to %scan3A_246 step %scan3A_247  : i32 {
        %mul3A_385 = arith.constant 2 : i32
        %mul3A_386 = arith.muli %mul3A_385, %scan3A_384 : i32
        %mul3A_387 = arith.constant 2 : i32
        %mul3A_388 = arith.muli %mul3A_387, %scan3A_384 : i32
        %add3A_389 = arith.constant 1 : i32
        %add3A_390 = arith.addi %mul3A_388, %add3A_389 : i32
        %add3A_391 = arith.constant 0 : i32
        %add3A_392 = vector.broadcast %add3A_391 : i32 to vector<16xi32>
        %add3A_393 = arith.addi %add3A_392, %iota3A : vector<16xi32>
        %mul3A_394 = arith.constant 128 : i32
        %mul3A_395 = vector.broadcast %mul3A_394 : i32 to vector<16xi32>
        %mul3A_396 = arith.muli %add3A_393, %mul3A_395 : vector<16xi32>
        %add3A_397 = vector.broadcast %add3A_390 : i32 to vector<16xi32>
        %add3A_398 = arith.addi %mul3A_396, %add3A_397 : vector<16xi32>
        %gather3A_399 = tpu.vector_load_idx %arg5[%add3A_398] : memref<16384xi32, #tpu.memory_space<vmem>>[vector<16xi32>], vector<16xi32>,
        %and3A_400 = arith.constant -32768 : i32
        %and3A_401 = vector.broadcast %and3A_400 : i32 to vector<16xi32>
        %and3A_402 = arith.andi %gather3A_399, %and3A_401 : vector<16xi32>
        %and3A_403 = arith.constant 8191 : i32
        %and3A_404 = vector.broadcast %and3A_403 : i32 to vector<16xi32>
        %and3A_405 = arith.andi %gather3A_399, %and3A_404 : vector<16xi32>
        %shift_left3A_406 = arith.constant 2 : i32
        %shift_left3A_407 = vector.broadcast %shift_left3A_406 : i32 to vector<16xi32>
        %shift_left3A_408 = arith.shli %and3A_405, %shift_left3A_407 : vector<16xi32>
        %add3A_409 = arith.addi %and3A_402, %shift_left3A_408 : vector<16xi32>
        %shift_right_arithmetic3A_410 = arith.constant 13 : i32
        %shift_right_arithmetic3A_411 = vector.broadcast %shift_right_arithmetic3A_410 : i32 to vector<16xi32>
        %shift_right_arithmetic3A_412 = arith.shrsi %gather3A_399, %shift_right_arithmetic3A_411 : vector<16xi32>
        %and3A_413 = arith.constant 3 : i32
        %and3A_414 = vector.broadcast %and3A_413 : i32 to vector<16xi32>
        %and3A_415 = arith.andi %shift_right_arithmetic3A_412, %and3A_414 : vector<16xi32>
        %add3A_416 = arith.addi %add3A_409, %and3A_415 : vector<16xi32>
        %swap3A_417 = arith.constant 0 : index
        %swap3A_418 = tpu.vector_load %arg7[%swap3A_417] {strides = array<i32>} : memref<128xi32, #tpu.memory_space<vmem>>, vector<16xi32>,
        tpu.vector_store %arg7[%swap3A_417], %add3A_416 {strides = array<i32>} : memref<128xi32, #tpu.memory_space<vmem>>, vector<16xi32>,
        %add3A_419 = arith.constant 16 : i32
        %add3A_420 = vector.broadcast %add3A_419 : i32 to vector<16xi32>
        %add3A_421 = arith.addi %add3A_420, %iota3A : vector<16xi32>
        %mul3A_422 = arith.constant 128 : i32
        %mul3A_423 = vector.broadcast %mul3A_422 : i32 to vector<16xi32>
        %mul3A_424 = arith.muli %add3A_421, %mul3A_423 : vector<16xi32>
        %add3A_425 = vector.broadcast %add3A_390 : i32 to vector<16xi32>
        %add3A_426 = arith.addi %mul3A_424, %add3A_425 : vector<16xi32>
        %gather3A_427 = tpu.vector_load_idx %arg5[%add3A_426] : memref<16384xi32, #tpu.memory_space<vmem>>[vector<16xi32>], vector<16xi32>,
        %and3A_428 = arith.constant -32768 : i32
        %and3A_429 = vector.broadcast %and3A_428 : i32 to vector<16xi32>
        %and3A_430 = arith.andi %gather3A_427, %and3A_429 : vector<16xi32>
        %and3A_431 = arith.constant 8191 : i32
        %and3A_432 = vector.broadcast %and3A_431 : i32 to vector<16xi32>
        %and3A_433 = arith.andi %gather3A_427, %and3A_432 : vector<16xi32>
        %shift_left3A_434 = arith.constant 2 : i32
        %shift_left3A_435 = vector.broadcast %shift_left3A_434 : i32 to vector<16xi32>
        %shift_left3A_436 = arith.shli %and3A_433, %shift_left3A_435 : vector<16xi32>
        %add3A_437 = arith.addi %and3A_430, %shift_left3A_436 : vector<16xi32>
        %shift_right_arithmetic3A_438 = arith.constant 13 : i32
        %shift_right_arithmetic3A_439 = vector.broadcast %shift_right_arithmetic3A_438 : i32 to vector<16xi32>
        %shift_right_arithmetic3A_440 = arith.shrsi %gather3A_427, %shift_right_arithmetic3A_439 : vector<16xi32>
        %and3A_441 = arith.constant 3 : i32
        %and3A_442 = vector.broadcast %and3A_441 : i32 to vector<16xi32>
        %and3A_443 = arith.andi %shift_right_arithmetic3A_440, %and3A_442 : vector<16xi32>
        %add3A_444 = arith.addi %add3A_437, %and3A_443 : vector<16xi32>
        %swap3A_445 = arith.constant 16 : index
        %swap3A_446 = tpu.vector_load %arg7[%swap3A_445] {strides = array<i32>} : memref<128xi32, #tpu.memory_space<vmem>>, vector<16xi32>,
        tpu.vector_store %arg7[%swap3A_445], %add3A_444 {strides = array<i32>} : memref<128xi32, #tpu.memory_space<vmem>>, vector<16xi32>,
        %add3A_447 = arith.constant 32 : i32
        %add3A_448 = vector.broadcast %add3A_447 : i32 to vector<16xi32>
        %add3A_449 = arith.addi %add3A_448, %iota3A : vector<16xi32>
        %mul3A_450 = arith.constant 128 : i32
        %mul3A_451 = vector.broadcast %mul3A_450 : i32 to vector<16xi32>
        %mul3A_452 = arith.muli %add3A_449, %mul3A_451 : vector<16xi32>
        %add3A_453 = vector.broadcast %add3A_390 : i32 to vector<16xi32>
        %add3A_454 = arith.addi %mul3A_452, %add3A_453 : vector<16xi32>
        %gather3A_455 = tpu.vector_load_idx %arg5[%add3A_454] : memref<16384xi32, #tpu.memory_space<vmem>>[vector<16xi32>], vector<16xi32>,
        %and3A_456 = arith.constant -32768 : i32
        %and3A_457 = vector.broadcast %and3A_456 : i32 to vector<16xi32>
        %and3A_458 = arith.andi %gather3A_455, %and3A_457 : vector<16xi32>
        %and3A_459 = arith.constant 8191 : i32
        %and3A_460 = vector.broadcast %and3A_459 : i32 to vector<16xi32>
        %and3A_461 = arith.andi %gather3A_455, %and3A_460 : vector<16xi32>
        %shift_left3A_462 = arith.constant 2 : i32
        %shift_left3A_463 = vector.broadcast %shift_left3A_462 : i32 to vector<16xi32>
        %shift_left3A_464 = arith.shli %and3A_461, %shift_left3A_463 : vector<16xi32>
        %add3A_465 = arith.addi %and3A_458, %shift_left3A_464 : vector<16xi32>
        %shift_right_arithmetic3A_466 = arith.constant 13 : i32
        %shift_right_arithmetic3A_467 = vector.broadcast %shift_right_arithmetic3A_466 : i32 to vector<16xi32>
        %shift_right_arithmetic3A_468 = arith.shrsi %gather3A_455, %shift_right_arithmetic3A_467 : vector<16xi32>
        %and3A_469 = arith.constant 3 : i32
        %and3A_470 = vector.broadcast %and3A_469 : i32 to vector<16xi32>
        %and3A_471 = arith.andi %shift_right_arithmetic3A_468, %and3A_470 : vector<16xi32>
        %add3A_472 = arith.addi %add3A_465, %and3A_471 : vector<16xi32>
        %swap3A_473 = arith.constant 32 : index
        %swap3A_474 = tpu.vector_load %arg7[%swap3A_473] {strides = array<i32>} : memref<128xi32, #tpu.memory_space<vmem>>, vector<16xi32>,
        tpu.vector_store %arg7[%swap3A_473], %add3A_472 {strides = array<i32>} : memref<128xi32, #tpu.memory_space<vmem>>, vector<16xi32>,
        %add3A_475 = arith.constant 48 : i32
        %add3A_476 = vector.broadcast %add3A_475 : i32 to vector<16xi32>
        %add3A_477 = arith.addi %add3A_476, %iota3A : vector<16xi32>
        %mul3A_478 = arith.constant 128 : i32
        %mul3A_479 = vector.broadcast %mul3A_478 : i32 to vector<16xi32>
        %mul3A_480 = arith.muli %add3A_477, %mul3A_479 : vector<16xi32>
        %add3A_481 = vector.broadcast %add3A_390 : i32 to vector<16xi32>
        %add3A_482 = arith.addi %mul3A_480, %add3A_481 : vector<16xi32>
        %gather3A_483 = tpu.vector_load_idx %arg5[%add3A_482] : memref<16384xi32, #tpu.memory_space<vmem>>[vector<16xi32>], vector<16xi32>,
        %and3A_484 = arith.constant -32768 : i32
        %and3A_485 = vector.broadcast %and3A_484 : i32 to vector<16xi32>
        %and3A_486 = arith.andi %gather3A_483, %and3A_485 : vector<16xi32>
        %and3A_487 = arith.constant 8191 : i32
        %and3A_488 = vector.broadcast %and3A_487 : i32 to vector<16xi32>
        %and3A_489 = arith.andi %gather3A_483, %and3A_488 : vector<16xi32>
        %shift_left3A_490 = arith.constant 2 : i32
        %shift_left3A_491 = vector.broadcast %shift_left3A_490 : i32 to vector<16xi32>
        %shift_left3A_492 = arith.shli %and3A_489, %shift_left3A_491 : vector<16xi32>
        %add3A_493 = arith.addi %and3A_486, %shift_left3A_492 : vector<16xi32>
        %shift_right_arithmetic3A_494 = arith.constant 13 : i32
        %shift_right_arithmetic3A_495 = vector.broadcast %shift_right_arithmetic3A_494 : i32 to vector<16xi32>
        %shift_right_arithmetic3A_496 = arith.shrsi %gather3A_483, %shift_right_arithmetic3A_495 : vector<16xi32>
        %and3A_497 = arith.constant 3 : i32
        %and3A_498 = vector.broadcast %and3A_497 : i32 to vector<16xi32>
        %and3A_499 = arith.andi %shift_right_arithmetic3A_496, %and3A_498 : vector<16xi32>
        %add3A_500 = arith.addi %add3A_493, %and3A_499 : vector<16xi32>
        %swap3A_501 = arith.constant 48 : index
        %swap3A_502 = tpu.vector_load %arg7[%swap3A_501] {strides = array<i32>} : memref<128xi32, #tpu.memory_space<vmem>>, vector<16xi32>,
        tpu.vector_store %arg7[%swap3A_501], %add3A_500 {strides = array<i32>} : memref<128xi32, #tpu.memory_space<vmem>>, vector<16xi32>,
        %add3A_503 = arith.constant 64 : i32
        %add3A_504 = vector.broadcast %add3A_503 : i32 to vector<16xi32>
        %add3A_505 = arith.addi %add3A_504, %iota3A : vector<16xi32>
        %mul3A_506 = arith.constant 128 : i32
        %mul3A_507 = vector.broadcast %mul3A_506 : i32 to vector<16xi32>
        %mul3A_508 = arith.muli %add3A_505, %mul3A_507 : vector<16xi32>
        %add3A_509 = vector.broadcast %add3A_390 : i32 to vector<16xi32>
        %add3A_510 = arith.addi %mul3A_508, %add3A_509 : vector<16xi32>
        %gather3A_511 = tpu.vector_load_idx %arg5[%add3A_510] : memref<16384xi32, #tpu.memory_space<vmem>>[vector<16xi32>], vector<16xi32>,
        %and3A_512 = arith.constant -32768 : i32
        %and3A_513 = vector.broadcast %and3A_512 : i32 to vector<16xi32>
        %and3A_514 = arith.andi %gather3A_511, %and3A_513 : vector<16xi32>
        %and3A_515 = arith.constant 8191 : i32
        %and3A_516 = vector.broadcast %and3A_515 : i32 to vector<16xi32>
        %and3A_517 = arith.andi %gather3A_511, %and3A_516 : vector<16xi32>
        %shift_left3A_518 = arith.constant 2 : i32
        %shift_left3A_519 = vector.broadcast %shift_left3A_518 : i32 to vector<16xi32>
        %shift_left3A_520 = arith.shli %and3A_517, %shift_left3A_519 : vector<16xi32>
        %add3A_521 = arith.addi %and3A_514, %shift_left3A_520 : vector<16xi32>
        %shift_right_arithmetic3A_522 = arith.constant 13 : i32
        %shift_right_arithmetic3A_523 = vector.broadcast %shift_right_arithmetic3A_522 : i32 to vector<16xi32>
        %shift_right_arithmetic3A_524 = arith.shrsi %gather3A_511, %shift_right_arithmetic3A_523 : vector<16xi32>
        %and3A_525 = arith.constant 3 : i32
        %and3A_526 = vector.broadcast %and3A_525 : i32 to vector<16xi32>
        %and3A_527 = arith.andi %shift_right_arithmetic3A_524, %and3A_526 : vector<16xi32>
        %add3A_528 = arith.addi %add3A_521, %and3A_527 : vector<16xi32>
        %swap3A_529 = arith.constant 64 : index
        %swap3A_530 = tpu.vector_load %arg7[%swap3A_529] {strides = array<i32>} : memref<128xi32, #tpu.memory_space<vmem>>, vector<16xi32>,
        tpu.vector_store %arg7[%swap3A_529], %add3A_528 {strides = array<i32>} : memref<128xi32, #tpu.memory_space<vmem>>, vector<16xi32>,
        %add3A_531 = arith.constant 80 : i32
        %add3A_532 = vector.broadcast %add3A_531 : i32 to vector<16xi32>
        %add3A_533 = arith.addi %add3A_532, %iota3A : vector<16xi32>
        %mul3A_534 = arith.constant 128 : i32
        %mul3A_535 = vector.broadcast %mul3A_534 : i32 to vector<16xi32>
        %mul3A_536 = arith.muli %add3A_533, %mul3A_535 : vector<16xi32>
        %add3A_537 = vector.broadcast %add3A_390 : i32 to vector<16xi32>
        %add3A_538 = arith.addi %mul3A_536, %add3A_537 : vector<16xi32>
        %gather3A_539 = tpu.vector_load_idx %arg5[%add3A_538] : memref<16384xi32, #tpu.memory_space<vmem>>[vector<16xi32>], vector<16xi32>,
        %and3A_540 = arith.constant -32768 : i32
        %and3A_541 = vector.broadcast %and3A_540 : i32 to vector<16xi32>
        %and3A_542 = arith.andi %gather3A_539, %and3A_541 : vector<16xi32>
        %and3A_543 = arith.constant 8191 : i32
        %and3A_544 = vector.broadcast %and3A_543 : i32 to vector<16xi32>
        %and3A_545 = arith.andi %gather3A_539, %and3A_544 : vector<16xi32>
        %shift_left3A_546 = arith.constant 2 : i32
        %shift_left3A_547 = vector.broadcast %shift_left3A_546 : i32 to vector<16xi32>
        %shift_left3A_548 = arith.shli %and3A_545, %shift_left3A_547 : vector<16xi32>
        %add3A_549 = arith.addi %and3A_542, %shift_left3A_548 : vector<16xi32>
        %shift_right_arithmetic3A_550 = arith.constant 13 : i32
        %shift_right_arithmetic3A_551 = vector.broadcast %shift_right_arithmetic3A_550 : i32 to vector<16xi32>
        %shift_right_arithmetic3A_552 = arith.shrsi %gather3A_539, %shift_right_arithmetic3A_551 : vector<16xi32>
        %and3A_553 = arith.constant 3 : i32
        %and3A_554 = vector.broadcast %and3A_553 : i32 to vector<16xi32>
        %and3A_555 = arith.andi %shift_right_arithmetic3A_552, %and3A_554 : vector<16xi32>
        %add3A_556 = arith.addi %add3A_549, %and3A_555 : vector<16xi32>
        %swap3A_557 = arith.constant 80 : index
        %swap3A_558 = tpu.vector_load %arg7[%swap3A_557] {strides = array<i32>} : memref<128xi32, #tpu.memory_space<vmem>>, vector<16xi32>,
        tpu.vector_store %arg7[%swap3A_557], %add3A_556 {strides = array<i32>} : memref<128xi32, #tpu.memory_space<vmem>>, vector<16xi32>,
        %add3A_559 = arith.constant 96 : i32
        %add3A_560 = vector.broadcast %add3A_559 : i32 to vector<16xi32>
        %add3A_561 = arith.addi %add3A_560, %iota3A : vector<16xi32>
        %mul3A_562 = arith.constant 128 : i32
        %mul3A_563 = vector.broadcast %mul3A_562 : i32 to vector<16xi32>
        %mul3A_564 = arith.muli %add3A_561, %mul3A_563 : vector<16xi32>
        %add3A_565 = vector.broadcast %add3A_390 : i32 to vector<16xi32>
        %add3A_566 = arith.addi %mul3A_564, %add3A_565 : vector<16xi32>
        %gather3A_567 = tpu.vector_load_idx %arg5[%add3A_566] : memref<16384xi32, #tpu.memory_space<vmem>>[vector<16xi32>], vector<16xi32>,
        %and3A_568 = arith.constant -32768 : i32
        %and3A_569 = vector.broadcast %and3A_568 : i32 to vector<16xi32>
        %and3A_570 = arith.andi %gather3A_567, %and3A_569 : vector<16xi32>
        %and3A_571 = arith.constant 8191 : i32
        %and3A_572 = vector.broadcast %and3A_571 : i32 to vector<16xi32>
        %and3A_573 = arith.andi %gather3A_567, %and3A_572 : vector<16xi32>
        %shift_left3A_574 = arith.constant 2 : i32
        %shift_left3A_575 = vector.broadcast %shift_left3A_574 : i32 to vector<16xi32>
        %shift_left3A_576 = arith.shli %and3A_573, %shift_left3A_575 : vector<16xi32>
        %add3A_577 = arith.addi %and3A_570, %shift_left3A_576 : vector<16xi32>
        %shift_right_arithmetic3A_578 = arith.constant 13 : i32
        %shift_right_arithmetic3A_579 = vector.broadcast %shift_right_arithmetic3A_578 : i32 to vector<16xi32>
        %shift_right_arithmetic3A_580 = arith.shrsi %gather3A_567, %shift_right_arithmetic3A_579 : vector<16xi32>
        %and3A_581 = arith.constant 3 : i32
        %and3A_582 = vector.broadcast %and3A_581 : i32 to vector<16xi32>
        %and3A_583 = arith.andi %shift_right_arithmetic3A_580, %and3A_582 : vector<16xi32>
        %add3A_584 = arith.addi %add3A_577, %and3A_583 : vector<16xi32>
        %swap3A_585 = arith.constant 96 : index
        %swap3A_586 = tpu.vector_load %arg7[%swap3A_585] {strides = array<i32>} : memref<128xi32, #tpu.memory_space<vmem>>, vector<16xi32>,
        tpu.vector_store %arg7[%swap3A_585], %add3A_584 {strides = array<i32>} : memref<128xi32, #tpu.memory_space<vmem>>, vector<16xi32>,
        %add3A_587 = arith.constant 112 : i32
        %add3A_588 = vector.broadcast %add3A_587 : i32 to vector<16xi32>
        %add3A_589 = arith.addi %add3A_588, %iota3A : vector<16xi32>
        %mul3A_590 = arith.constant 128 : i32
        %mul3A_591 = vector.broadcast %mul3A_590 : i32 to vector<16xi32>
        %mul3A_592 = arith.muli %add3A_589, %mul3A_591 : vector<16xi32>
        %add3A_593 = vector.broadcast %add3A_390 : i32 to vector<16xi32>
        %add3A_594 = arith.addi %mul3A_592, %add3A_593 : vector<16xi32>
        %gather3A_595 = tpu.vector_load_idx %arg5[%add3A_594] : memref<16384xi32, #tpu.memory_space<vmem>>[vector<16xi32>], vector<16xi32>,
        %and3A_596 = arith.constant -32768 : i32
        %and3A_597 = vector.broadcast %and3A_596 : i32 to vector<16xi32>
        %and3A_598 = arith.andi %gather3A_595, %and3A_597 : vector<16xi32>
        %and3A_599 = arith.constant 8191 : i32
        %and3A_600 = vector.broadcast %and3A_599 : i32 to vector<16xi32>
        %and3A_601 = arith.andi %gather3A_595, %and3A_600 : vector<16xi32>
        %shift_left3A_602 = arith.constant 2 : i32
        %shift_left3A_603 = vector.broadcast %shift_left3A_602 : i32 to vector<16xi32>
        %shift_left3A_604 = arith.shli %and3A_601, %shift_left3A_603 : vector<16xi32>
        %add3A_605 = arith.addi %and3A_598, %shift_left3A_604 : vector<16xi32>
        %shift_right_arithmetic3A_606 = arith.constant 13 : i32
        %shift_right_arithmetic3A_607 = vector.broadcast %shift_right_arithmetic3A_606 : i32 to vector<16xi32>
        %shift_right_arithmetic3A_608 = arith.shrsi %gather3A_595, %shift_right_arithmetic3A_607 : vector<16xi32>
        %and3A_609 = arith.constant 3 : i32
        %and3A_610 = vector.broadcast %and3A_609 : i32 to vector<16xi32>
        %and3A_611 = arith.andi %shift_right_arithmetic3A_608, %and3A_610 : vector<16xi32>
        %add3A_612 = arith.addi %add3A_605, %and3A_611 : vector<16xi32>
        %swap3A_613 = arith.constant 112 : index
        %swap3A_614 = tpu.vector_load %arg7[%swap3A_613] {strides = array<i32>} : memref<128xi32, #tpu.memory_space<vmem>>, vector<16xi32>,
        tpu.vector_store %arg7[%swap3A_613], %add3A_612 {strides = array<i32>} : memref<128xi32, #tpu.memory_space<vmem>>, vector<16xi32>,
        %dma_start3A_615 = arith.constant 0 : i32
        %dma_start3A_616 = arith.constant 0 : i32
        %dma_start3A_617 = tpu.memref_slice %arg3[%dma_start3A_615, %dma_start3A_616] : memref<1015808x32xf32, #tpu.memory_space<hbm>> -> memref<1015808x32xf32, #tpu.memory_space<hbm>>
        tpu.enqueue_indirect_dma source(%dma_start3A_617 : memref<1015808x32xf32, #tpu.memory_space<hbm>>) target(%arg9 : memref<128x32xf32, #tpu.memory_space<vmem>>) offsets(%arg7 : memref<128xi32, #tpu.memory_space<vmem>>) semaphore(%arg13 : memref<!tpu.dma_semaphore, #tpu.memory_space<semaphore_mem>>)
        %dma_wait3A_618 = arith.constant 0 : i32
        %dma_wait3A_619 = arith.constant 0 : i32
        %dma_wait3A_620 = tpu.memref_slice %arg3[%dma_wait3A_618, %dma_wait3A_619] : memref<1015808x32xf32, #tpu.memory_space<hbm>> -> memref<1015808x32xf32, #tpu.memory_space<hbm>>
        tpu.wait_indirect_dma semaphore(%arg12 : memref<!tpu.dma_semaphore, #tpu.memory_space<semaphore_mem>>) src(%dma_wait3A_620 : memref<1015808x32xf32, #tpu.memory_space<hbm>>) dst(%arg8 : memref<128x32xf32, #tpu.memory_space<vmem>>)
        %gt3A = arith.constant 0 : i32
        %gt3A_621 = arith.cmpi sgt, %scan3A_384, %gt3A : i32
        %convert_element_type3A = arith.extui %gt3A_621 : i1 to i32
        %cond3A = arith.constant 0 : i32
        %cond3A_622 = arith.cmpi ne, %convert_element_type3A, %cond3A : i32
        scf.if %cond3A_622 {
          %dma_wait3A_767 = arith.constant 0 : i32
          %dma_wait3A_768 = arith.constant 0 : i32
          %dma_wait3A_769 = arith.constant 0 : i32
          %dma_wait3A_770 = arith.constant 0 : i32
          %dma_wait3A_771 = arith.constant 0 : i32
          %dma_wait3A_772 = tpu.memref_slice %arg10[%dma_wait3A_770, %dma_wait3A_771] : memref<32x129xf32, #tpu.memory_space<vmem>> -> memref<8x128xf32, #tpu.memory_space<vmem>>
          %dma_wait3A_773 = arith.constant 0 : i32
          %dma_wait3A_774 = arith.constant 0 : i32
          %dma_wait3A_775 = tpu.memref_slice %arg4[%dma_wait3A_767, %dma_wait3A_768, %dma_wait3A_769, %dma_wait3A_773, %dma_wait3A_774] : memref<50x4x128x8x128xf32, #tpu.memory_space<hbm>> -> memref<1x1x1x8x128xf32, #tpu.memory_space<hbm>>
          %dma_wait3A_776 = tpu.memref_squeeze %dma_wait3A_775 : memref<1x1x1x8x128xf32, #tpu.memory_space<hbm>> -> memref<8x128xf32, #tpu.memory_space<hbm>>
          %dma_wait3A_777 = arith.constant 0 : i32
          %dma_wait3A_778 = arith.constant 0 : i32
          %dma_wait3A_779 = tpu.memref_slice %arg4[%dma_wait3A_767, %dma_wait3A_768, %dma_wait3A_769, %dma_wait3A_777, %dma_wait3A_778] : memref<50x4x128x8x128xf32, #tpu.memory_space<hbm>> -> memref<1x1x1x8x128xf32, #tpu.memory_space<hbm>>
          %dma_wait3A_780 = tpu.memref_squeeze %dma_wait3A_779 : memref<1x1x1x8x128xf32, #tpu.memory_space<hbm>> -> memref<8x128xf32, #tpu.memory_space<hbm>>
          %dma_wait3A_781 = arith.constant 0 : i32
          %dma_wait3A_782 = arith.constant 0 : i32
          %dma_wait3A_783 = tpu.memref_slice %arg10[%dma_wait3A_781, %dma_wait3A_782] : memref<32x129xf32, #tpu.memory_space<vmem>> -> memref<8x128xf32, #tpu.memory_space<vmem>>
          tpu.wait_dma2 semaphore(%arg14 : memref<!tpu.dma_semaphore, #tpu.memory_space<semaphore_mem>>) src(%dma_wait3A_783 : memref<8x128xf32, #tpu.memory_space<vmem>>) dst(%dma_wait3A_780 : memref<8x128xf32, #tpu.memory_space<hbm>>)
          %dma_wait3A_784 = arith.constant 0 : i32
          %dma_wait3A_785 = arith.constant 0 : i32
          %dma_wait3A_786 = arith.constant 0 : i32
          %dma_wait3A_787 = arith.constant 8 : i32
          %dma_wait3A_788 = arith.constant 0 : i32
          %dma_wait3A_789 = tpu.memref_slice %arg10[%dma_wait3A_787, %dma_wait3A_788] : memref<32x129xf32, #tpu.memory_space<vmem>> -> memref<8x128xf32, #tpu.memory_space<vmem>>
          %dma_wait3A_790 = arith.constant 0 : i32
          %dma_wait3A_791 = arith.constant 0 : i32
          %dma_wait3A_792 = tpu.memref_slice %arg4[%dma_wait3A_784, %dma_wait3A_785, %dma_wait3A_786, %dma_wait3A_790, %dma_wait3A_791] : memref<50x4x128x8x128xf32, #tpu.memory_space<hbm>> -> memref<1x1x1x8x128xf32, #tpu.memory_space<hbm>>
          %dma_wait3A_793 = tpu.memref_squeeze %dma_wait3A_792 : memref<1x1x1x8x128xf32, #tpu.memory_space<hbm>> -> memref<8x128xf32, #tpu.memory_space<hbm>>
          %dma_wait3A_794 = arith.constant 0 : i32
          %dma_wait3A_795 = arith.constant 0 : i32
          %dma_wait3A_796 = tpu.memref_slice %arg4[%dma_wait3A_784, %dma_wait3A_785, %dma_wait3A_786, %dma_wait3A_794, %dma_wait3A_795] : memref<50x4x128x8x128xf32, #tpu.memory_space<hbm>> -> memref<1x1x1x8x128xf32, #tpu.memory_space<hbm>>
          %dma_wait3A_797 = tpu.memref_squeeze %dma_wait3A_796 : memref<1x1x1x8x128xf32, #tpu.memory_space<hbm>> -> memref<8x128xf32, #tpu.memory_space<hbm>>
          %dma_wait3A_798 = arith.constant 8 : i32
          %dma_wait3A_799 = arith.constant 0 : i32
          %dma_wait3A_800 = tpu.memref_slice %arg10[%dma_wait3A_798, %dma_wait3A_799] : memref<32x129xf32, #tpu.memory_space<vmem>> -> memref<8x128xf32, #tpu.memory_space<vmem>>
          tpu.wait_dma2 semaphore(%arg14 : memref<!tpu.dma_semaphore, #tpu.memory_space<semaphore_mem>>) src(%dma_wait3A_800 : memref<8x128xf32, #tpu.memory_space<vmem>>) dst(%dma_wait3A_797 : memref<8x128xf32, #tpu.memory_space<hbm>>)
          %dma_wait3A_801 = arith.constant 0 : i32
          %dma_wait3A_802 = arith.constant 0 : i32
          %dma_wait3A_803 = arith.constant 0 : i32
          %dma_wait3A_804 = arith.constant 16 : i32
          %dma_wait3A_805 = arith.constant 0 : i32
          %dma_wait3A_806 = tpu.memref_slice %arg10[%dma_wait3A_804, %dma_wait3A_805] : memref<32x129xf32, #tpu.memory_space<vmem>> -> memref<8x128xf32, #tpu.memory_space<vmem>>
          %dma_wait3A_807 = arith.constant 0 : i32
          %dma_wait3A_808 = arith.constant 0 : i32
          %dma_wait3A_809 = tpu.memref_slice %arg4[%dma_wait3A_801, %dma_wait3A_802, %dma_wait3A_803, %dma_wait3A_807, %dma_wait3A_808] : memref<50x4x128x8x128xf32, #tpu.memory_space<hbm>> -> memref<1x1x1x8x128xf32, #tpu.memory_space<hbm>>
          %dma_wait3A_810 = tpu.memref_squeeze %dma_wait3A_809 : memref<1x1x1x8x128xf32, #tpu.memory_space<hbm>> -> memref<8x128xf32, #tpu.memory_space<hbm>>
          %dma_wait3A_811 = arith.constant 0 : i32
          %dma_wait3A_812 = arith.constant 0 : i32
          %dma_wait3A_813 = tpu.memref_slice %arg4[%dma_wait3A_801, %dma_wait3A_802, %dma_wait3A_803, %dma_wait3A_811, %dma_wait3A_812] : memref<50x4x128x8x128xf32, #tpu.memory_space<hbm>> -> memref<1x1x1x8x128xf32, #tpu.memory_space<hbm>>
          %dma_wait3A_814 = tpu.memref_squeeze %dma_wait3A_813 : memref<1x1x1x8x128xf32, #tpu.memory_space<hbm>> -> memref<8x128xf32, #tpu.memory_space<hbm>>
          %dma_wait3A_815 = arith.constant 16 : i32
          %dma_wait3A_816 = arith.constant 0 : i32
          %dma_wait3A_817 = tpu.memref_slice %arg10[%dma_wait3A_815, %dma_wait3A_816] : memref<32x129xf32, #tpu.memory_space<vmem>> -> memref<8x128xf32, #tpu.memory_space<vmem>>
          tpu.wait_dma2 semaphore(%arg14 : memref<!tpu.dma_semaphore, #tpu.memory_space<semaphore_mem>>) src(%dma_wait3A_817 : memref<8x128xf32, #tpu.memory_space<vmem>>) dst(%dma_wait3A_814 : memref<8x128xf32, #tpu.memory_space<hbm>>)
          %dma_wait3A_818 = arith.constant 0 : i32
          %dma_wait3A_819 = arith.constant 0 : i32
          %dma_wait3A_820 = arith.constant 0 : i32
          %dma_wait3A_821 = arith.constant 24 : i32
          %dma_wait3A_822 = arith.constant 0 : i32
          %dma_wait3A_823 = tpu.memref_slice %arg10[%dma_wait3A_821, %dma_wait3A_822] : memref<32x129xf32, #tpu.memory_space<vmem>> -> memref<8x128xf32, #tpu.memory_space<vmem>>
          %dma_wait3A_824 = arith.constant 0 : i32
          %dma_wait3A_825 = arith.constant 0 : i32
          %dma_wait3A_826 = tpu.memref_slice %arg4[%dma_wait3A_818, %dma_wait3A_819, %dma_wait3A_820, %dma_wait3A_824, %dma_wait3A_825] : memref<50x4x128x8x128xf32, #tpu.memory_space<hbm>> -> memref<1x1x1x8x128xf32, #tpu.memory_space<hbm>>
          %dma_wait3A_827 = tpu.memref_squeeze %dma_wait3A_826 : memref<1x1x1x8x128xf32, #tpu.memory_space<hbm>> -> memref<8x128xf32, #tpu.memory_space<hbm>>
          %dma_wait3A_828 = arith.constant 0 : i32
          %dma_wait3A_829 = arith.constant 0 : i32
          %dma_wait3A_830 = tpu.memref_slice %arg4[%dma_wait3A_818, %dma_wait3A_819, %dma_wait3A_820, %dma_wait3A_828, %dma_wait3A_829] : memref<50x4x128x8x128xf32, #tpu.memory_space<hbm>> -> memref<1x1x1x8x128xf32, #tpu.memory_space<hbm>>
          %dma_wait3A_831 = tpu.memref_squeeze %dma_wait3A_830 : memref<1x1x1x8x128xf32, #tpu.memory_space<hbm>> -> memref<8x128xf32, #tpu.memory_space<hbm>>
          %dma_wait3A_832 = arith.constant 24 : i32
          %dma_wait3A_833 = arith.constant 0 : i32
          %dma_wait3A_834 = tpu.memref_slice %arg10[%dma_wait3A_832, %dma_wait3A_833] : memref<32x129xf32, #tpu.memory_space<vmem>> -> memref<8x128xf32, #tpu.memory_space<vmem>>
          tpu.wait_dma2 semaphore(%arg14 : memref<!tpu.dma_semaphore, #tpu.memory_space<semaphore_mem>>) src(%dma_wait3A_834 : memref<8x128xf32, #tpu.memory_space<vmem>>) dst(%dma_wait3A_831 : memref<8x128xf32, #tpu.memory_space<hbm>>)
        } else {
        }
        %scan3A_623 = arith.constant 0 : i32
        %scan3A_624 = arith.constant 0 : i32
        %scan3A_625 = arith.constant 128 : i32
        %scan3A_626 = arith.addi %scan3A_624, %scan3A_625 : i32
        %scan3A_627 = arith.constant 1 : i32
        scf.for %scan3A_767 = %scan3A_624 to %scan3A_626 step %scan3A_627  : i32 {
          %broadcast_in_dim3A = arith.constant 0 : i32
          %broadcast_in_dim3A_768 = vector.broadcast %broadcast_in_dim3A : i32 to vector<16xi32>
          %add3A_769 = vector.broadcast %scan3A_767 : i32 to vector<16xi32>
          %add3A_770 = arith.addi %broadcast_in_dim3A_768, %add3A_769 : vector<16xi32>
          %get3A = arith.index_cast %scan3A_767 : i32 to index
          %get3A_771 = arith.constant 0 : index
          %get3A_772 = tpu.vector_load %arg8[%get3A, %get3A_771] {strides = array<i32>} : memref<128x32xf32, #tpu.memory_space<vmem>>, vector<16xf32>,
          %add3A_773 = arith.constant 0 : i32
          %add3A_774 = vector.broadcast %add3A_773 : i32 to vector<16xi32>
          %add3A_775 = arith.addi %add3A_774, %iota3A : vector<16xi32>
          tpu.vector_store_idx %arg10[%add3A_775, %add3A_770], %get3A_772 : memref<32x129xf32, #tpu.memory_space<vmem>>[vector<16xi32>, vector<16xi32>], vector<16xf32>,
          %get3A_776 = arith.index_cast %scan3A_767 : i32 to index
          %get3A_777 = arith.constant 16 : index
          %get3A_778 = tpu.vector_load %arg8[%get3A_776, %get3A_777] {strides = array<i32>} : memref<128x32xf32, #tpu.memory_space<vmem>>, vector<16xf32>,
          %add3A_779 = arith.constant 16 : i32
          %add3A_780 = vector.broadcast %add3A_779 : i32 to vector<16xi32>
          %add3A_781 = arith.addi %add3A_780, %iota3A : vector<16xi32>
          tpu.vector_store_idx %arg10[%add3A_781, %add3A_770], %get3A_778 : memref<32x129xf32, #tpu.memory_space<vmem>>[vector<16xi32>, vector<16xi32>], vector<16xf32>,
        }
        %scan3A_628 = arith.constant 128 : i32
        %dma_start3A_629 = arith.constant 0 : i32
        %dma_start3A_630 = arith.constant 0 : i32
        %dma_start3A_631 = arith.constant 0 : i32
        %dma_start3A_632 = tpu.memref_slice %arg10[%dma_start3A_630, %dma_start3A_631] : memref<32x129xf32, #tpu.memory_space<vmem>> -> memref<8x128xf32, #tpu.memory_space<vmem>>
        %dma_start3A_633 = arith.constant 0 : i32
        %dma_start3A_634 = arith.constant 0 : i32
        %dma_start3A_635 = tpu.memref_slice %arg4[%mul3A_386, %dma_start3A_629, %add3A_9, %dma_start3A_633, %dma_start3A_634] : memref<50x4x128x8x128xf32, #tpu.memory_space<hbm>> -> memref<1x1x1x8x128xf32, #tpu.memory_space<hbm>>
        %dma_start3A_636 = tpu.memref_squeeze %dma_start3A_635 : memref<1x1x1x8x128xf32, #tpu.memory_space<hbm>> -> memref<8x128xf32, #tpu.memory_space<hbm>>
        %dma_start3A_637 = arith.constant 0 : i32
        %dma_start3A_638 = arith.constant 0 : i32
        %dma_start3A_639 = tpu.memref_slice %arg4[%mul3A_386, %dma_start3A_629, %add3A_9, %dma_start3A_637, %dma_start3A_638] : memref<50x4x128x8x128xf32, #tpu.memory_space<hbm>> -> memref<1x1x1x8x128xf32, #tpu.memory_space<hbm>>
        %dma_start3A_640 = tpu.memref_squeeze %dma_start3A_639 : memref<1x1x1x8x128xf32, #tpu.memory_space<hbm>> -> memref<8x128xf32, #tpu.memory_space<hbm>>
        %dma_start3A_641 = arith.constant 0 : i32
        %dma_start3A_642 = arith.constant 0 : i32
        %dma_start3A_643 = tpu.memref_slice %arg10[%dma_start3A_641, %dma_start3A_642] : memref<32x129xf32, #tpu.memory_space<vmem>> -> memref<8x128xf32, #tpu.memory_space<vmem>>
        tpu.enqueue_dma source(%dma_start3A_643 : memref<8x128xf32, #tpu.memory_space<vmem>>) target(%dma_start3A_640 : memref<8x128xf32, #tpu.memory_space<hbm>>) target_semaphore(%arg14 : memref<!tpu.dma_semaphore, #tpu.memory_space<semaphore_mem>>)
        %dma_start3A_644 = arith.constant 1 : i32
        %dma_start3A_645 = arith.constant 8 : i32
        %dma_start3A_646 = arith.constant 0 : i32
        %dma_start3A_647 = tpu.memref_slice %arg10[%dma_start3A_645, %dma_start3A_646] : memref<32x129xf32, #tpu.memory_space<vmem>> -> memref<8x128xf32, #tpu.memory_space<vmem>>
        %dma_start3A_648 = arith.constant 0 : i32
        %dma_start3A_649 = arith.constant 0 : i32
        %dma_start3A_650 = tpu.memref_slice %arg4[%mul3A_386, %dma_start3A_644, %add3A_9, %dma_start3A_648, %dma_start3A_649] : memref<50x4x128x8x128xf32, #tpu.memory_space<hbm>> -> memref<1x1x1x8x128xf32, #tpu.memory_space<hbm>>
        %dma_start3A_651 = tpu.memref_squeeze %dma_start3A_650 : memref<1x1x1x8x128xf32, #tpu.memory_space<hbm>> -> memref<8x128xf32, #tpu.memory_space<hbm>>
        %dma_start3A_652 = arith.constant 0 : i32
        %dma_start3A_653 = arith.constant 0 : i32
        %dma_start3A_654 = tpu.memref_slice %arg4[%mul3A_386, %dma_start3A_644, %add3A_9, %dma_start3A_652, %dma_start3A_653] : memref<50x4x128x8x128xf32, #tpu.memory_space<hbm>> -> memref<1x1x1x8x128xf32, #tpu.memory_space<hbm>>
        %dma_start3A_655 = tpu.memref_squeeze %dma_start3A_654 : memref<1x1x1x8x128xf32, #tpu.memory_space<hbm>> -> memref<8x128xf32, #tpu.memory_space<hbm>>
        %dma_start3A_656 = arith.constant 8 : i32
        %dma_start3A_657 = arith.constant 0 : i32
        %dma_start3A_658 = tpu.memref_slice %arg10[%dma_start3A_656, %dma_start3A_657] : memref<32x129xf32, #tpu.memory_space<vmem>> -> memref<8x128xf32, #tpu.memory_space<vmem>>
        tpu.enqueue_dma source(%dma_start3A_658 : memref<8x128xf32, #tpu.memory_space<vmem>>) target(%dma_start3A_655 : memref<8x128xf32, #tpu.memory_space<hbm>>) target_semaphore(%arg14 : memref<!tpu.dma_semaphore, #tpu.memory_space<semaphore_mem>>)
        %dma_start3A_659 = arith.constant 2 : i32
        %dma_start3A_660 = arith.constant 16 : i32
        %dma_start3A_661 = arith.constant 0 : i32
        %dma_start3A_662 = tpu.memref_slice %arg10[%dma_start3A_660, %dma_start3A_661] : memref<32x129xf32, #tpu.memory_space<vmem>> -> memref<8x128xf32, #tpu.memory_space<vmem>>
        %dma_start3A_663 = arith.constant 0 : i32
        %dma_start3A_664 = arith.constant 0 : i32
        %dma_start3A_665 = tpu.memref_slice %arg4[%mul3A_386, %dma_start3A_659, %add3A_9, %dma_start3A_663, %dma_start3A_664] : memref<50x4x128x8x128xf32, #tpu.memory_space<hbm>> -> memref<1x1x1x8x128xf32, #tpu.memory_space<hbm>>
        %dma_start3A_666 = tpu.memref_squeeze %dma_start3A_665 : memref<1x1x1x8x128xf32, #tpu.memory_space<hbm>> -> memref<8x128xf32, #tpu.memory_space<hbm>>
        %dma_start3A_667 = arith.constant 0 : i32
        %dma_start3A_668 = arith.constant 0 : i32
        %dma_start3A_669 = tpu.memref_slice %arg4[%mul3A_386, %dma_start3A_659, %add3A_9, %dma_start3A_667, %dma_start3A_668] : memref<50x4x128x8x128xf32, #tpu.memory_space<hbm>> -> memref<1x1x1x8x128xf32, #tpu.memory_space<hbm>>
        %dma_start3A_670 = tpu.memref_squeeze %dma_start3A_669 : memref<1x1x1x8x128xf32, #tpu.memory_space<hbm>> -> memref<8x128xf32, #tpu.memory_space<hbm>>
        %dma_start3A_671 = arith.constant 16 : i32
        %dma_start3A_672 = arith.constant 0 : i32
        %dma_start3A_673 = tpu.memref_slice %arg10[%dma_start3A_671, %dma_start3A_672] : memref<32x129xf32, #tpu.memory_space<vmem>> -> memref<8x128xf32, #tpu.memory_space<vmem>>
        tpu.enqueue_dma source(%dma_start3A_673 : memref<8x128xf32, #tpu.memory_space<vmem>>) target(%dma_start3A_670 : memref<8x128xf32, #tpu.memory_space<hbm>>) target_semaphore(%arg14 : memref<!tpu.dma_semaphore, #tpu.memory_space<semaphore_mem>>)
        %dma_start3A_674 = arith.constant 3 : i32
        %dma_start3A_675 = arith.constant 24 : i32
        %dma_start3A_676 = arith.constant 0 : i32
        %dma_start3A_677 = tpu.memref_slice %arg10[%dma_start3A_675, %dma_start3A_676] : memref<32x129xf32, #tpu.memory_space<vmem>> -> memref<8x128xf32, #tpu.memory_space<vmem>>
        %dma_start3A_678 = arith.constant 0 : i32
        %dma_start3A_679 = arith.constant 0 : i32
        %dma_start3A_680 = tpu.memref_slice %arg4[%mul3A_386, %dma_start3A_674, %add3A_9, %dma_start3A_678, %dma_start3A_679] : memref<50x4x128x8x128xf32, #tpu.memory_space<hbm>> -> memref<1x1x1x8x128xf32, #tpu.memory_space<hbm>>
        %dma_start3A_681 = tpu.memref_squeeze %dma_start3A_680 : memref<1x1x1x8x128xf32, #tpu.memory_space<hbm>> -> memref<8x128xf32, #tpu.memory_space<hbm>>
        %dma_start3A_682 = arith.constant 0 : i32
        %dma_start3A_683 = arith.constant 0 : i32
        %dma_start3A_684 = tpu.memref_slice %arg4[%mul3A_386, %dma_start3A_674, %add3A_9, %dma_start3A_682, %dma_start3A_683] : memref<50x4x128x8x128xf32, #tpu.memory_space<hbm>> -> memref<1x1x1x8x128xf32, #tpu.memory_space<hbm>>
        %dma_start3A_685 = tpu.memref_squeeze %dma_start3A_684 : memref<1x1x1x8x128xf32, #tpu.memory_space<hbm>> -> memref<8x128xf32, #tpu.memory_space<hbm>>
        %dma_start3A_686 = arith.constant 24 : i32
        %dma_start3A_687 = arith.constant 0 : i32
        %dma_start3A_688 = tpu.memref_slice %arg10[%dma_start3A_686, %dma_start3A_687] : memref<32x129xf32, #tpu.memory_space<vmem>> -> memref<8x128xf32, #tpu.memory_space<vmem>>
        tpu.enqueue_dma source(%dma_start3A_688 : memref<8x128xf32, #tpu.memory_space<vmem>>) target(%dma_start3A_685 : memref<8x128xf32, #tpu.memory_space<hbm>>) target_semaphore(%arg14 : memref<!tpu.dma_semaphore, #tpu.memory_space<semaphore_mem>>)
        %lt3A = arith.constant 24 : i32
        %lt3A_689 = arith.cmpi slt, %scan3A_384, %lt3A : i32
        %convert_element_type3A_690 = arith.extui %lt3A_689 : i1 to i32
        %cond3A_691 = arith.constant 0 : i32
        %cond3A_692 = arith.cmpi ne, %convert_element_type3A_690, %cond3A_691 : i32
        scf.if %cond3A_692 {
          %add3A_767 = arith.constant 2 : i32
          %add3A_768 = arith.addi %mul3A_386, %add3A_767 : i32
          %add3A_769 = arith.constant 0 : i32
          %add3A_770 = vector.broadcast %add3A_769 : i32 to vector<16xi32>
          %add3A_771 = arith.addi %add3A_770, %iota3A : vector<16xi32>
          %mul3A_772 = arith.constant 128 : i32
          %mul3A_773 = vector.broadcast %mul3A_772 : i32 to vector<16xi32>
          %mul3A_774 = arith.muli %add3A_771, %mul3A_773 : vector<16xi32>
          %add3A_775 = vector.broadcast %add3A_768 : i32 to vector<16xi32>
          %add3A_776 = arith.addi %mul3A_774, %add3A_775 : vector<16xi32>
          %gather3A_777 = tpu.vector_load_idx %arg5[%add3A_776] : memref<16384xi32, #tpu.memory_space<vmem>>[vector<16xi32>], vector<16xi32>,
          %and3A_778 = arith.constant -32768 : i32
          %and3A_779 = vector.broadcast %and3A_778 : i32 to vector<16xi32>
          %and3A_780 = arith.andi %gather3A_777, %and3A_779 : vector<16xi32>
          %and3A_781 = arith.constant 8191 : i32
          %and3A_782 = vector.broadcast %and3A_781 : i32 to vector<16xi32>
          %and3A_783 = arith.andi %gather3A_777, %and3A_782 : vector<16xi32>
          %shift_left3A_784 = arith.constant 2 : i32
          %shift_left3A_785 = vector.broadcast %shift_left3A_784 : i32 to vector<16xi32>
          %shift_left3A_786 = arith.shli %and3A_783, %shift_left3A_785 : vector<16xi32>
          %add3A_787 = arith.addi %and3A_780, %shift_left3A_786 : vector<16xi32>
          %shift_right_arithmetic3A_788 = arith.constant 13 : i32
          %shift_right_arithmetic3A_789 = vector.broadcast %shift_right_arithmetic3A_788 : i32 to vector<16xi32>
          %shift_right_arithmetic3A_790 = arith.shrsi %gather3A_777, %shift_right_arithmetic3A_789 : vector<16xi32>
          %and3A_791 = arith.constant 3 : i32
          %and3A_792 = vector.broadcast %and3A_791 : i32 to vector<16xi32>
          %and3A_793 = arith.andi %shift_right_arithmetic3A_790, %and3A_792 : vector<16xi32>
          %add3A_794 = arith.addi %add3A_787, %and3A_793 : vector<16xi32>
          %swap3A_795 = arith.constant 0 : index
          %swap3A_796 = tpu.vector_load %arg6[%swap3A_795] {strides = array<i32>} : memref<128xi32, #tpu.memory_space<vmem>>, vector<16xi32>,
          tpu.vector_store %arg6[%swap3A_795], %add3A_794 {strides = array<i32>} : memref<128xi32, #tpu.memory_space<vmem>>, vector<16xi32>,
          %add3A_797 = arith.constant 16 : i32
          %add3A_798 = vector.broadcast %add3A_797 : i32 to vector<16xi32>
          %add3A_799 = arith.addi %add3A_798, %iota3A : vector<16xi32>
          %mul3A_800 = arith.constant 128 : i32
          %mul3A_801 = vector.broadcast %mul3A_800 : i32 to vector<16xi32>
          %mul3A_802 = arith.muli %add3A_799, %mul3A_801 : vector<16xi32>
          %add3A_803 = vector.broadcast %add3A_768 : i32 to vector<16xi32>
          %add3A_804 = arith.addi %mul3A_802, %add3A_803 : vector<16xi32>
          %gather3A_805 = tpu.vector_load_idx %arg5[%add3A_804] : memref<16384xi32, #tpu.memory_space<vmem>>[vector<16xi32>], vector<16xi32>,
          %and3A_806 = arith.constant -32768 : i32
          %and3A_807 = vector.broadcast %and3A_806 : i32 to vector<16xi32>
          %and3A_808 = arith.andi %gather3A_805, %and3A_807 : vector<16xi32>
          %and3A_809 = arith.constant 8191 : i32
          %and3A_810 = vector.broadcast %and3A_809 : i32 to vector<16xi32>
          %and3A_811 = arith.andi %gather3A_805, %and3A_810 : vector<16xi32>
          %shift_left3A_812 = arith.constant 2 : i32
          %shift_left3A_813 = vector.broadcast %shift_left3A_812 : i32 to vector<16xi32>
          %shift_left3A_814 = arith.shli %and3A_811, %shift_left3A_813 : vector<16xi32>
          %add3A_815 = arith.addi %and3A_808, %shift_left3A_814 : vector<16xi32>
          %shift_right_arithmetic3A_816 = arith.constant 13 : i32
          %shift_right_arithmetic3A_817 = vector.broadcast %shift_right_arithmetic3A_816 : i32 to vector<16xi32>
          %shift_right_arithmetic3A_818 = arith.shrsi %gather3A_805, %shift_right_arithmetic3A_817 : vector<16xi32>
          %and3A_819 = arith.constant 3 : i32
          %and3A_820 = vector.broadcast %and3A_819 : i32 to vector<16xi32>
          %and3A_821 = arith.andi %shift_right_arithmetic3A_818, %and3A_820 : vector<16xi32>
          %add3A_822 = arith.addi %add3A_815, %and3A_821 : vector<16xi32>
          %swap3A_823 = arith.constant 16 : index
          %swap3A_824 = tpu.vector_load %arg6[%swap3A_823] {strides = array<i32>} : memref<128xi32, #tpu.memory_space<vmem>>, vector<16xi32>,
          tpu.vector_store %arg6[%swap3A_823], %add3A_822 {strides = array<i32>} : memref<128xi32, #tpu.memory_space<vmem>>, vector<16xi32>,
          %add3A_825 = arith.constant 32 : i32
          %add3A_826 = vector.broadcast %add3A_825 : i32 to vector<16xi32>
          %add3A_827 = arith.addi %add3A_826, %iota3A : vector<16xi32>
          %mul3A_828 = arith.constant 128 : i32
          %mul3A_829 = vector.broadcast %mul3A_828 : i32 to vector<16xi32>
          %mul3A_830 = arith.muli %add3A_827, %mul3A_829 : vector<16xi32>
          %add3A_831 = vector.broadcast %add3A_768 : i32 to vector<16xi32>
          %add3A_832 = arith.addi %mul3A_830, %add3A_831 : vector<16xi32>
          %gather3A_833 = tpu.vector_load_idx %arg5[%add3A_832] : memref<16384xi32, #tpu.memory_space<vmem>>[vector<16xi32>], vector<16xi32>,
          %and3A_834 = arith.constant -32768 : i32
          %and3A_835 = vector.broadcast %and3A_834 : i32 to vector<16xi32>
          %and3A_836 = arith.andi %gather3A_833, %and3A_835 : vector<16xi32>
          %and3A_837 = arith.constant 8191 : i32
          %and3A_838 = vector.broadcast %and3A_837 : i32 to vector<16xi32>
          %and3A_839 = arith.andi %gather3A_833, %and3A_838 : vector<16xi32>
          %shift_left3A_840 = arith.constant 2 : i32
          %shift_left3A_841 = vector.broadcast %shift_left3A_840 : i32 to vector<16xi32>
          %shift_left3A_842 = arith.shli %and3A_839, %shift_left3A_841 : vector<16xi32>
          %add3A_843 = arith.addi %and3A_836, %shift_left3A_842 : vector<16xi32>
          %shift_right_arithmetic3A_844 = arith.constant 13 : i32
          %shift_right_arithmetic3A_845 = vector.broadcast %shift_right_arithmetic3A_844 : i32 to vector<16xi32>
          %shift_right_arithmetic3A_846 = arith.shrsi %gather3A_833, %shift_right_arithmetic3A_845 : vector<16xi32>
          %and3A_847 = arith.constant 3 : i32
          %and3A_848 = vector.broadcast %and3A_847 : i32 to vector<16xi32>
          %and3A_849 = arith.andi %shift_right_arithmetic3A_846, %and3A_848 : vector<16xi32>
          %add3A_850 = arith.addi %add3A_843, %and3A_849 : vector<16xi32>
          %swap3A_851 = arith.constant 32 : index
          %swap3A_852 = tpu.vector_load %arg6[%swap3A_851] {strides = array<i32>} : memref<128xi32, #tpu.memory_space<vmem>>, vector<16xi32>,
          tpu.vector_store %arg6[%swap3A_851], %add3A_850 {strides = array<i32>} : memref<128xi32, #tpu.memory_space<vmem>>, vector<16xi32>,
          %add3A_853 = arith.constant 48 : i32
          %add3A_854 = vector.broadcast %add3A_853 : i32 to vector<16xi32>
          %add3A_855 = arith.addi %add3A_854, %iota3A : vector<16xi32>
          %mul3A_856 = arith.constant 128 : i32
          %mul3A_857 = vector.broadcast %mul3A_856 : i32 to vector<16xi32>
          %mul3A_858 = arith.muli %add3A_855, %mul3A_857 : vector<16xi32>
          %add3A_859 = vector.broadcast %add3A_768 : i32 to vector<16xi32>
          %add3A_860 = arith.addi %mul3A_858, %add3A_859 : vector<16xi32>
          %gather3A_861 = tpu.vector_load_idx %arg5[%add3A_860] : memref<16384xi32, #tpu.memory_space<vmem>>[vector<16xi32>], vector<16xi32>,
          %and3A_862 = arith.constant -32768 : i32
          %and3A_863 = vector.broadcast %and3A_862 : i32 to vector<16xi32>
          %and3A_864 = arith.andi %gather3A_861, %and3A_863 : vector<16xi32>
          %and3A_865 = arith.constant 8191 : i32
          %and3A_866 = vector.broadcast %and3A_865 : i32 to vector<16xi32>
          %and3A_867 = arith.andi %gather3A_861, %and3A_866 : vector<16xi32>
          %shift_left3A_868 = arith.constant 2 : i32
          %shift_left3A_869 = vector.broadcast %shift_left3A_868 : i32 to vector<16xi32>
          %shift_left3A_870 = arith.shli %and3A_867, %shift_left3A_869 : vector<16xi32>
          %add3A_871 = arith.addi %and3A_864, %shift_left3A_870 : vector<16xi32>
          %shift_right_arithmetic3A_872 = arith.constant 13 : i32
          %shift_right_arithmetic3A_873 = vector.broadcast %shift_right_arithmetic3A_872 : i32 to vector<16xi32>
          %shift_right_arithmetic3A_874 = arith.shrsi %gather3A_861, %shift_right_arithmetic3A_873 : vector<16xi32>
          %and3A_875 = arith.constant 3 : i32
          %and3A_876 = vector.broadcast %and3A_875 : i32 to vector<16xi32>
          %and3A_877 = arith.andi %shift_right_arithmetic3A_874, %and3A_876 : vector<16xi32>
          %add3A_878 = arith.addi %add3A_871, %and3A_877 : vector<16xi32>
          %swap3A_879 = arith.constant 48 : index
          %swap3A_880 = tpu.vector_load %arg6[%swap3A_879] {strides = array<i32>} : memref<128xi32, #tpu.memory_space<vmem>>, vector<16xi32>,
          tpu.vector_store %arg6[%swap3A_879], %add3A_878 {strides = array<i32>} : memref<128xi32, #tpu.memory_space<vmem>>, vector<16xi32>,
          %add3A_881 = arith.constant 64 : i32
          %add3A_882 = vector.broadcast %add3A_881 : i32 to vector<16xi32>
          %add3A_883 = arith.addi %add3A_882, %iota3A : vector<16xi32>
          %mul3A_884 = arith.constant 128 : i32
          %mul3A_885 = vector.broadcast %mul3A_884 : i32 to vector<16xi32>
          %mul3A_886 = arith.muli %add3A_883, %mul3A_885 : vector<16xi32>
          %add3A_887 = vector.broadcast %add3A_768 : i32 to vector<16xi32>
          %add3A_888 = arith.addi %mul3A_886, %add3A_887 : vector<16xi32>
          %gather3A_889 = tpu.vector_load_idx %arg5[%add3A_888] : memref<16384xi32, #tpu.memory_space<vmem>>[vector<16xi32>], vector<16xi32>,
          %and3A_890 = arith.constant -32768 : i32
          %and3A_891 = vector.broadcast %and3A_890 : i32 to vector<16xi32>
          %and3A_892 = arith.andi %gather3A_889, %and3A_891 : vector<16xi32>
          %and3A_893 = arith.constant 8191 : i32
          %and3A_894 = vector.broadcast %and3A_893 : i32 to vector<16xi32>
          %and3A_895 = arith.andi %gather3A_889, %and3A_894 : vector<16xi32>
          %shift_left3A_896 = arith.constant 2 : i32
          %shift_left3A_897 = vector.broadcast %shift_left3A_896 : i32 to vector<16xi32>
          %shift_left3A_898 = arith.shli %and3A_895, %shift_left3A_897 : vector<16xi32>
          %add3A_899 = arith.addi %and3A_892, %shift_left3A_898 : vector<16xi32>
          %shift_right_arithmetic3A_900 = arith.constant 13 : i32
          %shift_right_arithmetic3A_901 = vector.broadcast %shift_right_arithmetic3A_900 : i32 to vector<16xi32>
          %shift_right_arithmetic3A_902 = arith.shrsi %gather3A_889, %shift_right_arithmetic3A_901 : vector<16xi32>
          %and3A_903 = arith.constant 3 : i32
          %and3A_904 = vector.broadcast %and3A_903 : i32 to vector<16xi32>
          %and3A_905 = arith.andi %shift_right_arithmetic3A_902, %and3A_904 : vector<16xi32>
          %add3A_906 = arith.addi %add3A_899, %and3A_905 : vector<16xi32>
          %swap3A_907 = arith.constant 64 : index
          %swap3A_908 = tpu.vector_load %arg6[%swap3A_907] {strides = array<i32>} : memref<128xi32, #tpu.memory_space<vmem>>, vector<16xi32>,
          tpu.vector_store %arg6[%swap3A_907], %add3A_906 {strides = array<i32>} : memref<128xi32, #tpu.memory_space<vmem>>, vector<16xi32>,
          %add3A_909 = arith.constant 80 : i32
          %add3A_910 = vector.broadcast %add3A_909 : i32 to vector<16xi32>
          %add3A_911 = arith.addi %add3A_910, %iota3A : vector<16xi32>
          %mul3A_912 = arith.constant 128 : i32
          %mul3A_913 = vector.broadcast %mul3A_912 : i32 to vector<16xi32>
          %mul3A_914 = arith.muli %add3A_911, %mul3A_913 : vector<16xi32>
          %add3A_915 = vector.broadcast %add3A_768 : i32 to vector<16xi32>
          %add3A_916 = arith.addi %mul3A_914, %add3A_915 : vector<16xi32>
          %gather3A_917 = tpu.vector_load_idx %arg5[%add3A_916] : memref<16384xi32, #tpu.memory_space<vmem>>[vector<16xi32>], vector<16xi32>,
          %and3A_918 = arith.constant -32768 : i32
          %and3A_919 = vector.broadcast %and3A_918 : i32 to vector<16xi32>
          %and3A_920 = arith.andi %gather3A_917, %and3A_919 : vector<16xi32>
          %and3A_921 = arith.constant 8191 : i32
          %and3A_922 = vector.broadcast %and3A_921 : i32 to vector<16xi32>
          %and3A_923 = arith.andi %gather3A_917, %and3A_922 : vector<16xi32>
          %shift_left3A_924 = arith.constant 2 : i32
          %shift_left3A_925 = vector.broadcast %shift_left3A_924 : i32 to vector<16xi32>
          %shift_left3A_926 = arith.shli %and3A_923, %shift_left3A_925 : vector<16xi32>
          %add3A_927 = arith.addi %and3A_920, %shift_left3A_926 : vector<16xi32>
          %shift_right_arithmetic3A_928 = arith.constant 13 : i32
          %shift_right_arithmetic3A_929 = vector.broadcast %shift_right_arithmetic3A_928 : i32 to vector<16xi32>
          %shift_right_arithmetic3A_930 = arith.shrsi %gather3A_917, %shift_right_arithmetic3A_929 : vector<16xi32>
          %and3A_931 = arith.constant 3 : i32
          %and3A_932 = vector.broadcast %and3A_931 : i32 to vector<16xi32>
          %and3A_933 = arith.andi %shift_right_arithmetic3A_930, %and3A_932 : vector<16xi32>
          %add3A_934 = arith.addi %add3A_927, %and3A_933 : vector<16xi32>
          %swap3A_935 = arith.constant 80 : index
          %swap3A_936 = tpu.vector_load %arg6[%swap3A_935] {strides = array<i32>} : memref<128xi32, #tpu.memory_space<vmem>>, vector<16xi32>,
          tpu.vector_store %arg6[%swap3A_935], %add3A_934 {strides = array<i32>} : memref<128xi32, #tpu.memory_space<vmem>>, vector<16xi32>,
          %add3A_937 = arith.constant 96 : i32
          %add3A_938 = vector.broadcast %add3A_937 : i32 to vector<16xi32>
          %add3A_939 = arith.addi %add3A_938, %iota3A : vector<16xi32>
          %mul3A_940 = arith.constant 128 : i32
          %mul3A_941 = vector.broadcast %mul3A_940 : i32 to vector<16xi32>
          %mul3A_942 = arith.muli %add3A_939, %mul3A_941 : vector<16xi32>
          %add3A_943 = vector.broadcast %add3A_768 : i32 to vector<16xi32>
          %add3A_944 = arith.addi %mul3A_942, %add3A_943 : vector<16xi32>
          %gather3A_945 = tpu.vector_load_idx %arg5[%add3A_944] : memref<16384xi32, #tpu.memory_space<vmem>>[vector<16xi32>], vector<16xi32>,
          %and3A_946 = arith.constant -32768 : i32
          %and3A_947 = vector.broadcast %and3A_946 : i32 to vector<16xi32>
          %and3A_948 = arith.andi %gather3A_945, %and3A_947 : vector<16xi32>
          %and3A_949 = arith.constant 8191 : i32
          %and3A_950 = vector.broadcast %and3A_949 : i32 to vector<16xi32>
          %and3A_951 = arith.andi %gather3A_945, %and3A_950 : vector<16xi32>
          %shift_left3A_952 = arith.constant 2 : i32
          %shift_left3A_953 = vector.broadcast %shift_left3A_952 : i32 to vector<16xi32>
          %shift_left3A_954 = arith.shli %and3A_951, %shift_left3A_953 : vector<16xi32>
          %add3A_955 = arith.addi %and3A_948, %shift_left3A_954 : vector<16xi32>
          %shift_right_arithmetic3A_956 = arith.constant 13 : i32
          %shift_right_arithmetic3A_957 = vector.broadcast %shift_right_arithmetic3A_956 : i32 to vector<16xi32>
          %shift_right_arithmetic3A_958 = arith.shrsi %gather3A_945, %shift_right_arithmetic3A_957 : vector<16xi32>
          %and3A_959 = arith.constant 3 : i32
          %and3A_960 = vector.broadcast %and3A_959 : i32 to vector<16xi32>
          %and3A_961 = arith.andi %shift_right_arithmetic3A_958, %and3A_960 : vector<16xi32>
          %add3A_962 = arith.addi %add3A_955, %and3A_961 : vector<16xi32>
          %swap3A_963 = arith.constant 96 : index
          %swap3A_964 = tpu.vector_load %arg6[%swap3A_963] {strides = array<i32>} : memref<128xi32, #tpu.memory_space<vmem>>, vector<16xi32>,
          tpu.vector_store %arg6[%swap3A_963], %add3A_962 {strides = array<i32>} : memref<128xi32, #tpu.memory_space<vmem>>, vector<16xi32>,
          %add3A_965 = arith.constant 112 : i32
          %add3A_966 = vector.broadcast %add3A_965 : i32 to vector<16xi32>
          %add3A_967 = arith.addi %add3A_966, %iota3A : vector<16xi32>
          %mul3A_968 = arith.constant 128 : i32
          %mul3A_969 = vector.broadcast %mul3A_968 : i32 to vector<16xi32>
          %mul3A_970 = arith.muli %add3A_967, %mul3A_969 : vector<16xi32>
          %add3A_971 = vector.broadcast %add3A_768 : i32 to vector<16xi32>
          %add3A_972 = arith.addi %mul3A_970, %add3A_971 : vector<16xi32>
          %gather3A_973 = tpu.vector_load_idx %arg5[%add3A_972] : memref<16384xi32, #tpu.memory_space<vmem>>[vector<16xi32>], vector<16xi32>,
          %and3A_974 = arith.constant -32768 : i32
          %and3A_975 = vector.broadcast %and3A_974 : i32 to vector<16xi32>
          %and3A_976 = arith.andi %gather3A_973, %and3A_975 : vector<16xi32>
          %and3A_977 = arith.constant 8191 : i32
          %and3A_978 = vector.broadcast %and3A_977 : i32 to vector<16xi32>
          %and3A_979 = arith.andi %gather3A_973, %and3A_978 : vector<16xi32>
          %shift_left3A_980 = arith.constant 2 : i32
          %shift_left3A_981 = vector.broadcast %shift_left3A_980 : i32 to vector<16xi32>
          %shift_left3A_982 = arith.shli %and3A_979, %shift_left3A_981 : vector<16xi32>
          %add3A_983 = arith.addi %and3A_976, %shift_left3A_982 : vector<16xi32>
          %shift_right_arithmetic3A_984 = arith.constant 13 : i32
          %shift_right_arithmetic3A_985 = vector.broadcast %shift_right_arithmetic3A_984 : i32 to vector<16xi32>
          %shift_right_arithmetic3A_986 = arith.shrsi %gather3A_973, %shift_right_arithmetic3A_985 : vector<16xi32>
          %and3A_987 = arith.constant 3 : i32
          %and3A_988 = vector.broadcast %and3A_987 : i32 to vector<16xi32>
          %and3A_989 = arith.andi %shift_right_arithmetic3A_986, %and3A_988 : vector<16xi32>
          %add3A_990 = arith.addi %add3A_983, %and3A_989 : vector<16xi32>
          %swap3A_991 = arith.constant 112 : index
          %swap3A_992 = tpu.vector_load %arg6[%swap3A_991] {strides = array<i32>} : memref<128xi32, #tpu.memory_space<vmem>>, vector<16xi32>,
          tpu.vector_store %arg6[%swap3A_991], %add3A_990 {strides = array<i32>} : memref<128xi32, #tpu.memory_space<vmem>>, vector<16xi32>,
          %dma_start3A_993 = arith.constant 0 : i32
          %dma_start3A_994 = arith.constant 0 : i32
          %dma_start3A_995 = tpu.memref_slice %arg3[%dma_start3A_993, %dma_start3A_994] : memref<1015808x32xf32, #tpu.memory_space<hbm>> -> memref<1015808x32xf32, #tpu.memory_space<hbm>>
          tpu.enqueue_indirect_dma source(%dma_start3A_995 : memref<1015808x32xf32, #tpu.memory_space<hbm>>) target(%arg8 : memref<128x32xf32, #tpu.memory_space<vmem>>) offsets(%arg6 : memref<128xi32, #tpu.memory_space<vmem>>) semaphore(%arg12 : memref<!tpu.dma_semaphore, #tpu.memory_space<semaphore_mem>>)
        } else {
        }
        %dma_wait3A_693 = arith.constant 0 : i32
        %dma_wait3A_694 = arith.constant 0 : i32
        %dma_wait3A_695 = tpu.memref_slice %arg3[%dma_wait3A_693, %dma_wait3A_694] : memref<1015808x32xf32, #tpu.memory_space<hbm>> -> memref<1015808x32xf32, #tpu.memory_space<hbm>>
        tpu.wait_indirect_dma semaphore(%arg13 : memref<!tpu.dma_semaphore, #tpu.memory_space<semaphore_mem>>) src(%dma_wait3A_695 : memref<1015808x32xf32, #tpu.memory_space<hbm>>) dst(%arg9 : memref<128x32xf32, #tpu.memory_space<vmem>>)
        %gt3A_696 = arith.constant 0 : i32
        %gt3A_697 = arith.cmpi sgt, %scan3A_384, %gt3A_696 : i32
        %convert_element_type3A_698 = arith.extui %gt3A_697 : i1 to i32
        %cond3A_699 = arith.constant 0 : i32
        %cond3A_700 = arith.cmpi ne, %convert_element_type3A_698, %cond3A_699 : i32
        scf.if %cond3A_700 {
          %dma_wait3A_767 = arith.constant 0 : i32
          %dma_wait3A_768 = arith.constant 0 : i32
          %dma_wait3A_769 = arith.constant 0 : i32
          %dma_wait3A_770 = arith.constant 0 : i32
          %dma_wait3A_771 = arith.constant 0 : i32
          %dma_wait3A_772 = tpu.memref_slice %arg11[%dma_wait3A_770, %dma_wait3A_771] : memref<32x129xf32, #tpu.memory_space<vmem>> -> memref<8x128xf32, #tpu.memory_space<vmem>>
          %dma_wait3A_773 = arith.constant 0 : i32
          %dma_wait3A_774 = arith.constant 0 : i32
          %dma_wait3A_775 = tpu.memref_slice %arg4[%dma_wait3A_767, %dma_wait3A_768, %dma_wait3A_769, %dma_wait3A_773, %dma_wait3A_774] : memref<50x4x128x8x128xf32, #tpu.memory_space<hbm>> -> memref<1x1x1x8x128xf32, #tpu.memory_space<hbm>>
          %dma_wait3A_776 = tpu.memref_squeeze %dma_wait3A_775 : memref<1x1x1x8x128xf32, #tpu.memory_space<hbm>> -> memref<8x128xf32, #tpu.memory_space<hbm>>
          %dma_wait3A_777 = arith.constant 0 : i32
          %dma_wait3A_778 = arith.constant 0 : i32
          %dma_wait3A_779 = tpu.memref_slice %arg4[%dma_wait3A_767, %dma_wait3A_768, %dma_wait3A_769, %dma_wait3A_777, %dma_wait3A_778] : memref<50x4x128x8x128xf32, #tpu.memory_space<hbm>> -> memref<1x1x1x8x128xf32, #tpu.memory_space<hbm>>
          %dma_wait3A_780 = tpu.memref_squeeze %dma_wait3A_779 : memref<1x1x1x8x128xf32, #tpu.memory_space<hbm>> -> memref<8x128xf32, #tpu.memory_space<hbm>>
          %dma_wait3A_781 = arith.constant 0 : i32
          %dma_wait3A_782 = arith.constant 0 : i32
          %dma_wait3A_783 = tpu.memref_slice %arg11[%dma_wait3A_781, %dma_wait3A_782] : memref<32x129xf32, #tpu.memory_space<vmem>> -> memref<8x128xf32, #tpu.memory_space<vmem>>
          tpu.wait_dma2 semaphore(%arg15 : memref<!tpu.dma_semaphore, #tpu.memory_space<semaphore_mem>>) src(%dma_wait3A_783 : memref<8x128xf32, #tpu.memory_space<vmem>>) dst(%dma_wait3A_780 : memref<8x128xf32, #tpu.memory_space<hbm>>)
          %dma_wait3A_784 = arith.constant 0 : i32
          %dma_wait3A_785 = arith.constant 0 : i32
          %dma_wait3A_786 = arith.constant 0 : i32
          %dma_wait3A_787 = arith.constant 8 : i32
          %dma_wait3A_788 = arith.constant 0 : i32
          %dma_wait3A_789 = tpu.memref_slice %arg11[%dma_wait3A_787, %dma_wait3A_788] : memref<32x129xf32, #tpu.memory_space<vmem>> -> memref<8x128xf32, #tpu.memory_space<vmem>>
          %dma_wait3A_790 = arith.constant 0 : i32
          %dma_wait3A_791 = arith.constant 0 : i32
          %dma_wait3A_792 = tpu.memref_slice %arg4[%dma_wait3A_784, %dma_wait3A_785, %dma_wait3A_786, %dma_wait3A_790, %dma_wait3A_791] : memref<50x4x128x8x128xf32, #tpu.memory_space<hbm>> -> memref<1x1x1x8x128xf32, #tpu.memory_space<hbm>>
          %dma_wait3A_793 = tpu.memref_squeeze %dma_wait3A_792 : memref<1x1x1x8x128xf32, #tpu.memory_space<hbm>> -> memref<8x128xf32, #tpu.memory_space<hbm>>
          %dma_wait3A_794 = arith.constant 0 : i32
          %dma_wait3A_795 = arith.constant 0 : i32
          %dma_wait3A_796 = tpu.memref_slice %arg4[%dma_wait3A_784, %dma_wait3A_785, %dma_wait3A_786, %dma_wait3A_794, %dma_wait3A_795] : memref<50x4x128x8x128xf32, #tpu.memory_space<hbm>> -> memref<1x1x1x8x128xf32, #tpu.memory_space<hbm>>
          %dma_wait3A_797 = tpu.memref_squeeze %dma_wait3A_796 : memref<1x1x1x8x128xf32, #tpu.memory_space<hbm>> -> memref<8x128xf32, #tpu.memory_space<hbm>>
          %dma_wait3A_798 = arith.constant 8 : i32
          %dma_wait3A_799 = arith.constant 0 : i32
          %dma_wait3A_800 = tpu.memref_slice %arg11[%dma_wait3A_798, %dma_wait3A_799] : memref<32x129xf32, #tpu.memory_space<vmem>> -> memref<8x128xf32, #tpu.memory_space<vmem>>
          tpu.wait_dma2 semaphore(%arg15 : memref<!tpu.dma_semaphore, #tpu.memory_space<semaphore_mem>>) src(%dma_wait3A_800 : memref<8x128xf32, #tpu.memory_space<vmem>>) dst(%dma_wait3A_797 : memref<8x128xf32, #tpu.memory_space<hbm>>)
          %dma_wait3A_801 = arith.constant 0 : i32
          %dma_wait3A_802 = arith.constant 0 : i32
          %dma_wait3A_803 = arith.constant 0 : i32
          %dma_wait3A_804 = arith.constant 16 : i32
          %dma_wait3A_805 = arith.constant 0 : i32
          %dma_wait3A_806 = tpu.memref_slice %arg11[%dma_wait3A_804, %dma_wait3A_805] : memref<32x129xf32, #tpu.memory_space<vmem>> -> memref<8x128xf32, #tpu.memory_space<vmem>>
          %dma_wait3A_807 = arith.constant 0 : i32
          %dma_wait3A_808 = arith.constant 0 : i32
          %dma_wait3A_809 = tpu.memref_slice %arg4[%dma_wait3A_801, %dma_wait3A_802, %dma_wait3A_803, %dma_wait3A_807, %dma_wait3A_808] : memref<50x4x128x8x128xf32, #tpu.memory_space<hbm>> -> memref<1x1x1x8x128xf32, #tpu.memory_space<hbm>>
          %dma_wait3A_810 = tpu.memref_squeeze %dma_wait3A_809 : memref<1x1x1x8x128xf32, #tpu.memory_space<hbm>> -> memref<8x128xf32, #tpu.memory_space<hbm>>
          %dma_wait3A_811 = arith.constant 0 : i32
          %dma_wait3A_812 = arith.constant 0 : i32
          %dma_wait3A_813 = tpu.memref_slice %arg4[%dma_wait3A_801, %dma_wait3A_802, %dma_wait3A_803, %dma_wait3A_811, %dma_wait3A_812] : memref<50x4x128x8x128xf32, #tpu.memory_space<hbm>> -> memref<1x1x1x8x128xf32, #tpu.memory_space<hbm>>
          %dma_wait3A_814 = tpu.memref_squeeze %dma_wait3A_813 : memref<1x1x1x8x128xf32, #tpu.memory_space<hbm>> -> memref<8x128xf32, #tpu.memory_space<hbm>>
          %dma_wait3A_815 = arith.constant 16 : i32
          %dma_wait3A_816 = arith.constant 0 : i32
          %dma_wait3A_817 = tpu.memref_slice %arg11[%dma_wait3A_815, %dma_wait3A_816] : memref<32x129xf32, #tpu.memory_space<vmem>> -> memref<8x128xf32, #tpu.memory_space<vmem>>
          tpu.wait_dma2 semaphore(%arg15 : memref<!tpu.dma_semaphore, #tpu.memory_space<semaphore_mem>>) src(%dma_wait3A_817 : memref<8x128xf32, #tpu.memory_space<vmem>>) dst(%dma_wait3A_814 : memref<8x128xf32, #tpu.memory_space<hbm>>)
          %dma_wait3A_818 = arith.constant 0 : i32
          %dma_wait3A_819 = arith.constant 0 : i32
          %dma_wait3A_820 = arith.constant 0 : i32
          %dma_wait3A_821 = arith.constant 24 : i32
          %dma_wait3A_822 = arith.constant 0 : i32
          %dma_wait3A_823 = tpu.memref_slice %arg11[%dma_wait3A_821, %dma_wait3A_822] : memref<32x129xf32, #tpu.memory_space<vmem>> -> memref<8x128xf32, #tpu.memory_space<vmem>>
          %dma_wait3A_824 = arith.constant 0 : i32
          %dma_wait3A_825 = arith.constant 0 : i32
          %dma_wait3A_826 = tpu.memref_slice %arg4[%dma_wait3A_818, %dma_wait3A_819, %dma_wait3A_820, %dma_wait3A_824, %dma_wait3A_825] : memref<50x4x128x8x128xf32, #tpu.memory_space<hbm>> -> memref<1x1x1x8x128xf32, #tpu.memory_space<hbm>>
          %dma_wait3A_827 = tpu.memref_squeeze %dma_wait3A_826 : memref<1x1x1x8x128xf32, #tpu.memory_space<hbm>> -> memref<8x128xf32, #tpu.memory_space<hbm>>
          %dma_wait3A_828 = arith.constant 0 : i32
          %dma_wait3A_829 = arith.constant 0 : i32
          %dma_wait3A_830 = tpu.memref_slice %arg4[%dma_wait3A_818, %dma_wait3A_819, %dma_wait3A_820, %dma_wait3A_828, %dma_wait3A_829] : memref<50x4x128x8x128xf32, #tpu.memory_space<hbm>> -> memref<1x1x1x8x128xf32, #tpu.memory_space<hbm>>
          %dma_wait3A_831 = tpu.memref_squeeze %dma_wait3A_830 : memref<1x1x1x8x128xf32, #tpu.memory_space<hbm>> -> memref<8x128xf32, #tpu.memory_space<hbm>>
          %dma_wait3A_832 = arith.constant 24 : i32
          %dma_wait3A_833 = arith.constant 0 : i32
          %dma_wait3A_834 = tpu.memref_slice %arg11[%dma_wait3A_832, %dma_wait3A_833] : memref<32x129xf32, #tpu.memory_space<vmem>> -> memref<8x128xf32, #tpu.memory_space<vmem>>
          tpu.wait_dma2 semaphore(%arg15 : memref<!tpu.dma_semaphore, #tpu.memory_space<semaphore_mem>>) src(%dma_wait3A_834 : memref<8x128xf32, #tpu.memory_space<vmem>>) dst(%dma_wait3A_831 : memref<8x128xf32, #tpu.memory_space<hbm>>)
        } else {
        }
        %scan3A_701 = arith.constant 0 : i32
        %scan3A_702 = arith.constant 0 : i32
        %scan3A_703 = arith.constant 128 : i32
        %scan3A_704 = arith.addi %scan3A_702, %scan3A_703 : i32
        %scan3A_705 = arith.constant 1 : i32
        scf.for %scan3A_767 = %scan3A_702 to %scan3A_704 step %scan3A_705  : i32 {
          %broadcast_in_dim3A = arith.constant 0 : i32
          %broadcast_in_dim3A_768 = vector.broadcast %broadcast_in_dim3A : i32 to vector<16xi32>
          %add3A_769 = vector.broadcast %scan3A_767 : i32 to vector<16xi32>
          %add3A_770 = arith.addi %broadcast_in_dim3A_768, %add3A_769 : vector<16xi32>
          %get3A = arith.index_cast %scan3A_767 : i32 to index
          %get3A_771 = arith.constant 0 : index
          %get3A_772 = tpu.vector_load %arg9[%get3A, %get3A_771] {strides = array<i32>} : memref<128x32xf32, #tpu.memory_space<vmem>>, vector<16xf32>,
          %add3A_773 = arith.constant 0 : i32
          %add3A_774 = vector.broadcast %add3A_773 : i32 to vector<16xi32>
          %add3A_775 = arith.addi %add3A_774, %iota3A : vector<16xi32>
          tpu.vector_store_idx %arg11[%add3A_775, %add3A_770], %get3A_772 : memref<32x129xf32, #tpu.memory_space<vmem>>[vector<16xi32>, vector<16xi32>], vector<16xf32>,
          %get3A_776 = arith.index_cast %scan3A_767 : i32 to index
          %get3A_777 = arith.constant 16 : index
          %get3A_778 = tpu.vector_load %arg9[%get3A_776, %get3A_777] {strides = array<i32>} : memref<128x32xf32, #tpu.memory_space<vmem>>, vector<16xf32>,
          %add3A_779 = arith.constant 16 : i32
          %add3A_780 = vector.broadcast %add3A_779 : i32 to vector<16xi32>
          %add3A_781 = arith.addi %add3A_780, %iota3A : vector<16xi32>
          tpu.vector_store_idx %arg11[%add3A_781, %add3A_770], %get3A_778 : memref<32x129xf32, #tpu.memory_space<vmem>>[vector<16xi32>, vector<16xi32>], vector<16xf32>,
        }
        %scan3A_706 = arith.constant 128 : i32
        %dma_start3A_707 = arith.constant 0 : i32
        %dma_start3A_708 = arith.constant 0 : i32
        %dma_start3A_709 = arith.constant 0 : i32
        %dma_start3A_710 = tpu.memref_slice %arg11[%dma_start3A_708, %dma_start3A_709] : memref<32x129xf32, #tpu.memory_space<vmem>> -> memref<8x128xf32, #tpu.memory_space<vmem>>
        %dma_start3A_711 = arith.constant 0 : i32
        %dma_start3A_712 = arith.constant 0 : i32
        %dma_start3A_713 = tpu.memref_slice %arg4[%add3A_390, %dma_start3A_707, %add3A_9, %dma_start3A_711, %dma_start3A_712] : memref<50x4x128x8x128xf32, #tpu.memory_space<hbm>> -> memref<1x1x1x8x128xf32, #tpu.memory_space<hbm>>
        %dma_start3A_714 = tpu.memref_squeeze %dma_start3A_713 : memref<1x1x1x8x128xf32, #tpu.memory_space<hbm>> -> memref<8x128xf32, #tpu.memory_space<hbm>>
        %dma_start3A_715 = arith.constant 0 : i32
        %dma_start3A_716 = arith.constant 0 : i32
        %dma_start3A_717 = tpu.memref_slice %arg4[%add3A_390, %dma_start3A_707, %add3A_9, %dma_start3A_715, %dma_start3A_716] : memref<50x4x128x8x128xf32, #tpu.memory_space<hbm>> -> memref<1x1x1x8x128xf32, #tpu.memory_space<hbm>>
        %dma_start3A_718 = tpu.memref_squeeze %dma_start3A_717 : memref<1x1x1x8x128xf32, #tpu.memory_space<hbm>> -> memref<8x128xf32, #tpu.memory_space<hbm>>
        %dma_start3A_719 = arith.constant 0 : i32
        %dma_start3A_720 = arith.constant 0 : i32
        %dma_start3A_721 = tpu.memref_slice %arg11[%dma_start3A_719, %dma_start3A_720] : memref<32x129xf32, #tpu.memory_space<vmem>> -> memref<8x128xf32, #tpu.memory_space<vmem>>
        tpu.enqueue_dma source(%dma_start3A_721 : memref<8x128xf32, #tpu.memory_space<vmem>>) target(%dma_start3A_718 : memref<8x128xf32, #tpu.memory_space<hbm>>) target_semaphore(%arg15 : memref<!tpu.dma_semaphore, #tpu.memory_space<semaphore_mem>>)
        %dma_start3A_722 = arith.constant 1 : i32
        %dma_start3A_723 = arith.constant 8 : i32
        %dma_start3A_724 = arith.constant 0 : i32
        %dma_start3A_725 = tpu.memref_slice %arg11[%dma_start3A_723, %dma_start3A_724] : memref<32x129xf32, #tpu.memory_space<vmem>> -> memref<8x128xf32, #tpu.memory_space<vmem>>
        %dma_start3A_726 = arith.constant 0 : i32
        %dma_start3A_727 = arith.constant 0 : i32
        %dma_start3A_728 = tpu.memref_slice %arg4[%add3A_390, %dma_start3A_722, %add3A_9, %dma_start3A_726, %dma_start3A_727] : memref<50x4x128x8x128xf32, #tpu.memory_space<hbm>> -> memref<1x1x1x8x128xf32, #tpu.memory_space<hbm>>
        %dma_start3A_729 = tpu.memref_squeeze %dma_start3A_728 : memref<1x1x1x8x128xf32, #tpu.memory_space<hbm>> -> memref<8x128xf32, #tpu.memory_space<hbm>>
        %dma_start3A_730 = arith.constant 0 : i32
        %dma_start3A_731 = arith.constant 0 : i32
        %dma_start3A_732 = tpu.memref_slice %arg4[%add3A_390, %dma_start3A_722, %add3A_9, %dma_start3A_730, %dma_start3A_731] : memref<50x4x128x8x128xf32, #tpu.memory_space<hbm>> -> memref<1x1x1x8x128xf32, #tpu.memory_space<hbm>>
        %dma_start3A_733 = tpu.memref_squeeze %dma_start3A_732 : memref<1x1x1x8x128xf32, #tpu.memory_space<hbm>> -> memref<8x128xf32, #tpu.memory_space<hbm>>
        %dma_start3A_734 = arith.constant 8 : i32
        %dma_start3A_735 = arith.constant 0 : i32
        %dma_start3A_736 = tpu.memref_slice %arg11[%dma_start3A_734, %dma_start3A_735] : memref<32x129xf32, #tpu.memory_space<vmem>> -> memref<8x128xf32, #tpu.memory_space<vmem>>
        tpu.enqueue_dma source(%dma_start3A_736 : memref<8x128xf32, #tpu.memory_space<vmem>>) target(%dma_start3A_733 : memref<8x128xf32, #tpu.memory_space<hbm>>) target_semaphore(%arg15 : memref<!tpu.dma_semaphore, #tpu.memory_space<semaphore_mem>>)
        %dma_start3A_737 = arith.constant 2 : i32
        %dma_start3A_738 = arith.constant 16 : i32
        %dma_start3A_739 = arith.constant 0 : i32
        %dma_start3A_740 = tpu.memref_slice %arg11[%dma_start3A_738, %dma_start3A_739] : memref<32x129xf32, #tpu.memory_space<vmem>> -> memref<8x128xf32, #tpu.memory_space<vmem>>
        %dma_start3A_741 = arith.constant 0 : i32
        %dma_start3A_742 = arith.constant 0 : i32
        %dma_start3A_743 = tpu.memref_slice %arg4[%add3A_390, %dma_start3A_737, %add3A_9, %dma_start3A_741, %dma_start3A_742] : memref<50x4x128x8x128xf32, #tpu.memory_space<hbm>> -> memref<1x1x1x8x128xf32, #tpu.memory_space<hbm>>
        %dma_start3A_744 = tpu.memref_squeeze %dma_start3A_743 : memref<1x1x1x8x128xf32, #tpu.memory_space<hbm>> -> memref<8x128xf32, #tpu.memory_space<hbm>>
        %dma_start3A_745 = arith.constant 0 : i32
        %dma_start3A_746 = arith.constant 0 : i32
        %dma_start3A_747 = tpu.memref_slice %arg4[%add3A_390, %dma_start3A_737, %add3A_9, %dma_start3A_745, %dma_start3A_746] : memref<50x4x128x8x128xf32, #tpu.memory_space<hbm>> -> memref<1x1x1x8x128xf32, #tpu.memory_space<hbm>>
        %dma_start3A_748 = tpu.memref_squeeze %dma_start3A_747 : memref<1x1x1x8x128xf32, #tpu.memory_space<hbm>> -> memref<8x128xf32, #tpu.memory_space<hbm>>
        %dma_start3A_749 = arith.constant 16 : i32
        %dma_start3A_750 = arith.constant 0 : i32
        %dma_start3A_751 = tpu.memref_slice %arg11[%dma_start3A_749, %dma_start3A_750] : memref<32x129xf32, #tpu.memory_space<vmem>> -> memref<8x128xf32, #tpu.memory_space<vmem>>
        tpu.enqueue_dma source(%dma_start3A_751 : memref<8x128xf32, #tpu.memory_space<vmem>>) target(%dma_start3A_748 : memref<8x128xf32, #tpu.memory_space<hbm>>) target_semaphore(%arg15 : memref<!tpu.dma_semaphore, #tpu.memory_space<semaphore_mem>>)
        %dma_start3A_752 = arith.constant 3 : i32
        %dma_start3A_753 = arith.constant 24 : i32
        %dma_start3A_754 = arith.constant 0 : i32
        %dma_start3A_755 = tpu.memref_slice %arg11[%dma_start3A_753, %dma_start3A_754] : memref<32x129xf32, #tpu.memory_space<vmem>> -> memref<8x128xf32, #tpu.memory_space<vmem>>
        %dma_start3A_756 = arith.constant 0 : i32
        %dma_start3A_757 = arith.constant 0 : i32
        %dma_start3A_758 = tpu.memref_slice %arg4[%add3A_390, %dma_start3A_752, %add3A_9, %dma_start3A_756, %dma_start3A_757] : memref<50x4x128x8x128xf32, #tpu.memory_space<hbm>> -> memref<1x1x1x8x128xf32, #tpu.memory_space<hbm>>
        %dma_start3A_759 = tpu.memref_squeeze %dma_start3A_758 : memref<1x1x1x8x128xf32, #tpu.memory_space<hbm>> -> memref<8x128xf32, #tpu.memory_space<hbm>>
        %dma_start3A_760 = arith.constant 0 : i32
        %dma_start3A_761 = arith.constant 0 : i32
        %dma_start3A_762 = tpu.memref_slice %arg4[%add3A_390, %dma_start3A_752, %add3A_9, %dma_start3A_760, %dma_start3A_761] : memref<50x4x128x8x128xf32, #tpu.memory_space<hbm>> -> memref<1x1x1x8x128xf32, #tpu.memory_space<hbm>>
        %dma_start3A_763 = tpu.memref_squeeze %dma_start3A_762 : memref<1x1x1x8x128xf32, #tpu.memory_space<hbm>> -> memref<8x128xf32, #tpu.memory_space<hbm>>
        %dma_start3A_764 = arith.constant 24 : i32
        %dma_start3A_765 = arith.constant 0 : i32
        %dma_start3A_766 = tpu.memref_slice %arg11[%dma_start3A_764, %dma_start3A_765] : memref<32x129xf32, #tpu.memory_space<vmem>> -> memref<8x128xf32, #tpu.memory_space<vmem>>
        tpu.enqueue_dma source(%dma_start3A_766 : memref<8x128xf32, #tpu.memory_space<vmem>>) target(%dma_start3A_763 : memref<8x128xf32, #tpu.memory_space<hbm>>) target_semaphore(%arg15 : memref<!tpu.dma_semaphore, #tpu.memory_space<semaphore_mem>>)
      }
      %scan3A_248 = arith.constant 25 : i32
      %dma_wait3A = arith.constant 0 : i32
      %dma_wait3A_249 = arith.constant 0 : i32
      %dma_wait3A_250 = arith.constant 0 : i32
      %dma_wait3A_251 = arith.constant 0 : i32
      %dma_wait3A_252 = arith.constant 0 : i32
      %dma_wait3A_253 = tpu.memref_slice %arg10[%dma_wait3A_251, %dma_wait3A_252] : memref<32x129xf32, #tpu.memory_space<vmem>> -> memref<8x128xf32, #tpu.memory_space<vmem>>
      %dma_wait3A_254 = arith.constant 0 : i32
      %dma_wait3A_255 = arith.constant 0 : i32
      %dma_wait3A_256 = tpu.memref_slice %arg4[%dma_wait3A, %dma_wait3A_249, %dma_wait3A_250, %dma_wait3A_254, %dma_wait3A_255] : memref<50x4x128x8x128xf32, #tpu.memory_space<hbm>> -> memref<1x1x1x8x128xf32, #tpu.memory_space<hbm>>
      %dma_wait3A_257 = tpu.memref_squeeze %dma_wait3A_256 : memref<1x1x1x8x128xf32, #tpu.memory_space<hbm>> -> memref<8x128xf32, #tpu.memory_space<hbm>>
      %dma_wait3A_258 = arith.constant 0 : i32
      %dma_wait3A_259 = arith.constant 0 : i32
      %dma_wait3A_260 = tpu.memref_slice %arg4[%dma_wait3A, %dma_wait3A_249, %dma_wait3A_250, %dma_wait3A_258, %dma_wait3A_259] : memref<50x4x128x8x128xf32, #tpu.memory_space<hbm>> -> memref<1x1x1x8x128xf32, #tpu.memory_space<hbm>>
      %dma_wait3A_261 = tpu.memref_squeeze %dma_wait3A_260 : memref<1x1x1x8x128xf32, #tpu.memory_space<hbm>> -> memref<8x128xf32, #tpu.memory_space<hbm>>
      %dma_wait3A_262 = arith.constant 0 : i32
      %dma_wait3A_263 = arith.constant 0 : i32
      %dma_wait3A_264 = tpu.memref_slice %arg10[%dma_wait3A_262, %dma_wait3A_263] : memref<32x129xf32, #tpu.memory_space<vmem>> -> memref<8x128xf32, #tpu.memory_space<vmem>>
      tpu.wait_dma2 semaphore(%arg14 : memref<!tpu.dma_semaphore, #tpu.memory_space<semaphore_mem>>) src(%dma_wait3A_264 : memref<8x128xf32, #tpu.memory_space<vmem>>) dst(%dma_wait3A_261 : memref<8x128xf32, #tpu.memory_space<hbm>>)
      %dma_wait3A_265 = arith.constant 0 : i32
      %dma_wait3A_266 = arith.constant 0 : i32
      %dma_wait3A_267 = arith.constant 0 : i32
      %dma_wait3A_268 = arith.constant 8 : i32
      %dma_wait3A_269 = arith.constant 0 : i32
      %dma_wait3A_270 = tpu.memref_slice %arg10[%dma_wait3A_268, %dma_wait3A_269] : memref<32x129xf32, #tpu.memory_space<vmem>> -> memref<8x128xf32, #tpu.memory_space<vmem>>
      %dma_wait3A_271 = arith.constant 0 : i32
      %dma_wait3A_272 = arith.constant 0 : i32
      %dma_wait3A_273 = tpu.memref_slice %arg4[%dma_wait3A_265, %dma_wait3A_266, %dma_wait3A_267, %dma_wait3A_271, %dma_wait3A_272] : memref<50x4x128x8x128xf32, #tpu.memory_space<hbm>> -> memref<1x1x1x8x128xf32, #tpu.memory_space<hbm>>
      %dma_wait3A_274 = tpu.memref_squeeze %dma_wait3A_273 : memref<1x1x1x8x128xf32, #tpu.memory_space<hbm>> -> memref<8x128xf32, #tpu.memory_space<hbm>>
      %dma_wait3A_275 = arith.constant 0 : i32
      %dma_wait3A_276 = arith.constant 0 : i32
      %dma_wait3A_277 = tpu.memref_slice %arg4[%dma_wait3A_265, %dma_wait3A_266, %dma_wait3A_267, %dma_wait3A_275, %dma_wait3A_276] : memref<50x4x128x8x128xf32, #tpu.memory_space<hbm>> -> memref<1x1x1x8x128xf32, #tpu.memory_space<hbm>>
      %dma_wait3A_278 = tpu.memref_squeeze %dma_wait3A_277 : memref<1x1x1x8x128xf32, #tpu.memory_space<hbm>> -> memref<8x128xf32, #tpu.memory_space<hbm>>
      %dma_wait3A_279 = arith.constant 8 : i32
      %dma_wait3A_280 = arith.constant 0 : i32
      %dma_wait3A_281 = tpu.memref_slice %arg10[%dma_wait3A_279, %dma_wait3A_280] : memref<32x129xf32, #tpu.memory_space<vmem>> -> memref<8x128xf32, #tpu.memory_space<vmem>>
      tpu.wait_dma2 semaphore(%arg14 : memref<!tpu.dma_semaphore, #tpu.memory_space<semaphore_mem>>) src(%dma_wait3A_281 : memref<8x128xf32, #tpu.memory_space<vmem>>) dst(%dma_wait3A_278 : memref<8x128xf32, #tpu.memory_space<hbm>>)
      %dma_wait3A_282 = arith.constant 0 : i32
      %dma_wait3A_283 = arith.constant 0 : i32
      %dma_wait3A_284 = arith.constant 0 : i32
      %dma_wait3A_285 = arith.constant 16 : i32
      %dma_wait3A_286 = arith.constant 0 : i32
      %dma_wait3A_287 = tpu.memref_slice %arg10[%dma_wait3A_285, %dma_wait3A_286] : memref<32x129xf32, #tpu.memory_space<vmem>> -> memref<8x128xf32, #tpu.memory_space<vmem>>
      %dma_wait3A_288 = arith.constant 0 : i32
      %dma_wait3A_289 = arith.constant 0 : i32
      %dma_wait3A_290 = tpu.memref_slice %arg4[%dma_wait3A_282, %dma_wait3A_283, %dma_wait3A_284, %dma_wait3A_288, %dma_wait3A_289] : memref<50x4x128x8x128xf32, #tpu.memory_space<hbm>> -> memref<1x1x1x8x128xf32, #tpu.memory_space<hbm>>
      %dma_wait3A_291 = tpu.memref_squeeze %dma_wait3A_290 : memref<1x1x1x8x128xf32, #tpu.memory_space<hbm>> -> memref<8x128xf32, #tpu.memory_space<hbm>>
      %dma_wait3A_292 = arith.constant 0 : i32
      %dma_wait3A_293 = arith.constant 0 : i32
      %dma_wait3A_294 = tpu.memref_slice %arg4[%dma_wait3A_282, %dma_wait3A_283, %dma_wait3A_284, %dma_wait3A_292, %dma_wait3A_293] : memref<50x4x128x8x128xf32, #tpu.memory_space<hbm>> -> memref<1x1x1x8x128xf32, #tpu.memory_space<hbm>>
      %dma_wait3A_295 = tpu.memref_squeeze %dma_wait3A_294 : memref<1x1x1x8x128xf32, #tpu.memory_space<hbm>> -> memref<8x128xf32, #tpu.memory_space<hbm>>
      %dma_wait3A_296 = arith.constant 16 : i32
      %dma_wait3A_297 = arith.constant 0 : i32
      %dma_wait3A_298 = tpu.memref_slice %arg10[%dma_wait3A_296, %dma_wait3A_297] : memref<32x129xf32, #tpu.memory_space<vmem>> -> memref<8x128xf32, #tpu.memory_space<vmem>>
      tpu.wait_dma2 semaphore(%arg14 : memref<!tpu.dma_semaphore, #tpu.memory_space<semaphore_mem>>) src(%dma_wait3A_298 : memref<8x128xf32, #tpu.memory_space<vmem>>) dst(%dma_wait3A_295 : memref<8x128xf32, #tpu.memory_space<hbm>>)
      %dma_wait3A_299 = arith.constant 0 : i32
      %dma_wait3A_300 = arith.constant 0 : i32
      %dma_wait3A_301 = arith.constant 0 : i32
      %dma_wait3A_302 = arith.constant 24 : i32
      %dma_wait3A_303 = arith.constant 0 : i32
      %dma_wait3A_304 = tpu.memref_slice %arg10[%dma_wait3A_302, %dma_wait3A_303] : memref<32x129xf32, #tpu.memory_space<vmem>> -> memref<8x128xf32, #tpu.memory_space<vmem>>
      %dma_wait3A_305 = arith.constant 0 : i32
      %dma_wait3A_306 = arith.constant 0 : i32
      %dma_wait3A_307 = tpu.memref_slice %arg4[%dma_wait3A_299, %dma_wait3A_300, %dma_wait3A_301, %dma_wait3A_305, %dma_wait3A_306] : memref<50x4x128x8x128xf32, #tpu.memory_space<hbm>> -> memref<1x1x1x8x128xf32, #tpu.memory_space<hbm>>
      %dma_wait3A_308 = tpu.memref_squeeze %dma_wait3A_307 : memref<1x1x1x8x128xf32, #tpu.memory_space<hbm>> -> memref<8x128xf32, #tpu.memory_space<hbm>>
      %dma_wait3A_309 = arith.constant 0 : i32
      %dma_wait3A_310 = arith.constant 0 : i32
      %dma_wait3A_311 = tpu.memref_slice %arg4[%dma_wait3A_299, %dma_wait3A_300, %dma_wait3A_301, %dma_wait3A_309, %dma_wait3A_310] : memref<50x4x128x8x128xf32, #tpu.memory_space<hbm>> -> memref<1x1x1x8x128xf32, #tpu.memory_space<hbm>>
      %dma_wait3A_312 = tpu.memref_squeeze %dma_wait3A_311 : memref<1x1x1x8x128xf32, #tpu.memory_space<hbm>> -> memref<8x128xf32, #tpu.memory_space<hbm>>
      %dma_wait3A_313 = arith.constant 24 : i32
      %dma_wait3A_314 = arith.constant 0 : i32
      %dma_wait3A_315 = tpu.memref_slice %arg10[%dma_wait3A_313, %dma_wait3A_314] : memref<32x129xf32, #tpu.memory_space<vmem>> -> memref<8x128xf32, #tpu.memory_space<vmem>>
      tpu.wait_dma2 semaphore(%arg14 : memref<!tpu.dma_semaphore, #tpu.memory_space<semaphore_mem>>) src(%dma_wait3A_315 : memref<8x128xf32, #tpu.memory_space<vmem>>) dst(%dma_wait3A_312 : memref<8x128xf32, #tpu.memory_space<hbm>>)
      %dma_wait3A_316 = arith.constant 0 : i32
      %dma_wait3A_317 = arith.constant 0 : i32
      %dma_wait3A_318 = arith.constant 0 : i32
      %dma_wait3A_319 = arith.constant 0 : i32
      %dma_wait3A_320 = arith.constant 0 : i32
      %dma_wait3A_321 = tpu.memref_slice %arg11[%dma_wait3A_319, %dma_wait3A_320] : memref<32x129xf32, #tpu.memory_space<vmem>> -> memref<8x128xf32, #tpu.memory_space<vmem>>
      %dma_wait3A_322 = arith.constant 0 : i32
      %dma_wait3A_323 = arith.constant 0 : i32
      %dma_wait3A_324 = tpu.memref_slice %arg4[%dma_wait3A_316, %dma_wait3A_317, %dma_wait3A_318, %dma_wait3A_322, %dma_wait3A_323] : memref<50x4x128x8x128xf32, #tpu.memory_space<hbm>> -> memref<1x1x1x8x128xf32, #tpu.memory_space<hbm>>
      %dma_wait3A_325 = tpu.memref_squeeze %dma_wait3A_324 : memref<1x1x1x8x128xf32, #tpu.memory_space<hbm>> -> memref<8x128xf32, #tpu.memory_space<hbm>>
      %dma_wait3A_326 = arith.constant 0 : i32
      %dma_wait3A_327 = arith.constant 0 : i32
      %dma_wait3A_328 = tpu.memref_slice %arg4[%dma_wait3A_316, %dma_wait3A_317, %dma_wait3A_318, %dma_wait3A_326, %dma_wait3A_327] : memref<50x4x128x8x128xf32, #tpu.memory_space<hbm>> -> memref<1x1x1x8x128xf32, #tpu.memory_space<hbm>>
      %dma_wait3A_329 = tpu.memref_squeeze %dma_wait3A_328 : memref<1x1x1x8x128xf32, #tpu.memory_space<hbm>> -> memref<8x128xf32, #tpu.memory_space<hbm>>
      %dma_wait3A_330 = arith.constant 0 : i32
      %dma_wait3A_331 = arith.constant 0 : i32
      %dma_wait3A_332 = tpu.memref_slice %arg11[%dma_wait3A_330, %dma_wait3A_331] : memref<32x129xf32, #tpu.memory_space<vmem>> -> memref<8x128xf32, #tpu.memory_space<vmem>>
      tpu.wait_dma2 semaphore(%arg15 : memref<!tpu.dma_semaphore, #tpu.memory_space<semaphore_mem>>) src(%dma_wait3A_332 : memref<8x128xf32, #tpu.memory_space<vmem>>) dst(%dma_wait3A_329 : memref<8x128xf32, #tpu.memory_space<hbm>>)
      %dma_wait3A_333 = arith.constant 0 : i32
      %dma_wait3A_334 = arith.constant 0 : i32
      %dma_wait3A_335 = arith.constant 0 : i32
      %dma_wait3A_336 = arith.constant 8 : i32
      %dma_wait3A_337 = arith.constant 0 : i32
      %dma_wait3A_338 = tpu.memref_slice %arg11[%dma_wait3A_336, %dma_wait3A_337] : memref<32x129xf32, #tpu.memory_space<vmem>> -> memref<8x128xf32, #tpu.memory_space<vmem>>
      %dma_wait3A_339 = arith.constant 0 : i32
      %dma_wait3A_340 = arith.constant 0 : i32
      %dma_wait3A_341 = tpu.memref_slice %arg4[%dma_wait3A_333, %dma_wait3A_334, %dma_wait3A_335, %dma_wait3A_339, %dma_wait3A_340] : memref<50x4x128x8x128xf32, #tpu.memory_space<hbm>> -> memref<1x1x1x8x128xf32, #tpu.memory_space<hbm>>
      %dma_wait3A_342 = tpu.memref_squeeze %dma_wait3A_341 : memref<1x1x1x8x128xf32, #tpu.memory_space<hbm>> -> memref<8x128xf32, #tpu.memory_space<hbm>>
      %dma_wait3A_343 = arith.constant 0 : i32
      %dma_wait3A_344 = arith.constant 0 : i32
      %dma_wait3A_345 = tpu.memref_slice %arg4[%dma_wait3A_333, %dma_wait3A_334, %dma_wait3A_335, %dma_wait3A_343, %dma_wait3A_344] : memref<50x4x128x8x128xf32, #tpu.memory_space<hbm>> -> memref<1x1x1x8x128xf32, #tpu.memory_space<hbm>>
      %dma_wait3A_346 = tpu.memref_squeeze %dma_wait3A_345 : memref<1x1x1x8x128xf32, #tpu.memory_space<hbm>> -> memref<8x128xf32, #tpu.memory_space<hbm>>
      %dma_wait3A_347 = arith.constant 8 : i32
      %dma_wait3A_348 = arith.constant 0 : i32
      %dma_wait3A_349 = tpu.memref_slice %arg11[%dma_wait3A_347, %dma_wait3A_348] : memref<32x129xf32, #tpu.memory_space<vmem>> -> memref<8x128xf32, #tpu.memory_space<vmem>>
      tpu.wait_dma2 semaphore(%arg15 : memref<!tpu.dma_semaphore, #tpu.memory_space<semaphore_mem>>) src(%dma_wait3A_349 : memref<8x128xf32, #tpu.memory_space<vmem>>) dst(%dma_wait3A_346 : memref<8x128xf32, #tpu.memory_space<hbm>>)
      %dma_wait3A_350 = arith.constant 0 : i32
      %dma_wait3A_351 = arith.constant 0 : i32
      %dma_wait3A_352 = arith.constant 0 : i32
      %dma_wait3A_353 = arith.constant 16 : i32
      %dma_wait3A_354 = arith.constant 0 : i32
      %dma_wait3A_355 = tpu.memref_slice %arg11[%dma_wait3A_353, %dma_wait3A_354] : memref<32x129xf32, #tpu.memory_space<vmem>> -> memref<8x128xf32, #tpu.memory_space<vmem>>
      %dma_wait3A_356 = arith.constant 0 : i32
      %dma_wait3A_357 = arith.constant 0 : i32
      %dma_wait3A_358 = tpu.memref_slice %arg4[%dma_wait3A_350, %dma_wait3A_351, %dma_wait3A_352, %dma_wait3A_356, %dma_wait3A_357] : memref<50x4x128x8x128xf32, #tpu.memory_space<hbm>> -> memref<1x1x1x8x128xf32, #tpu.memory_space<hbm>>
      %dma_wait3A_359 = tpu.memref_squeeze %dma_wait3A_358 : memref<1x1x1x8x128xf32, #tpu.memory_space<hbm>> -> memref<8x128xf32, #tpu.memory_space<hbm>>
      %dma_wait3A_360 = arith.constant 0 : i32
      %dma_wait3A_361 = arith.constant 0 : i32
      %dma_wait3A_362 = tpu.memref_slice %arg4[%dma_wait3A_350, %dma_wait3A_351, %dma_wait3A_352, %dma_wait3A_360, %dma_wait3A_361] : memref<50x4x128x8x128xf32, #tpu.memory_space<hbm>> -> memref<1x1x1x8x128xf32, #tpu.memory_space<hbm>>
      %dma_wait3A_363 = tpu.memref_squeeze %dma_wait3A_362 : memref<1x1x1x8x128xf32, #tpu.memory_space<hbm>> -> memref<8x128xf32, #tpu.memory_space<hbm>>
      %dma_wait3A_364 = arith.constant 16 : i32
      %dma_wait3A_365 = arith.constant 0 : i32
      %dma_wait3A_366 = tpu.memref_slice %arg11[%dma_wait3A_364, %dma_wait3A_365] : memref<32x129xf32, #tpu.memory_space<vmem>> -> memref<8x128xf32, #tpu.memory_space<vmem>>
      tpu.wait_dma2 semaphore(%arg15 : memref<!tpu.dma_semaphore, #tpu.memory_space<semaphore_mem>>) src(%dma_wait3A_366 : memref<8x128xf32, #tpu.memory_space<vmem>>) dst(%dma_wait3A_363 : memref<8x128xf32, #tpu.memory_space<hbm>>)
      %dma_wait3A_367 = arith.constant 0 : i32
      %dma_wait3A_368 = arith.constant 0 : i32
      %dma_wait3A_369 = arith.constant 0 : i32
      %dma_wait3A_370 = arith.constant 24 : i32
      %dma_wait3A_371 = arith.constant 0 : i32
      %dma_wait3A_372 = tpu.memref_slice %arg11[%dma_wait3A_370, %dma_wait3A_371] : memref<32x129xf32, #tpu.memory_space<vmem>> -> memref<8x128xf32, #tpu.memory_space<vmem>>
      %dma_wait3A_373 = arith.constant 0 : i32
      %dma_wait3A_374 = arith.constant 0 : i32
      %dma_wait3A_375 = tpu.memref_slice %arg4[%dma_wait3A_367, %dma_wait3A_368, %dma_wait3A_369, %dma_wait3A_373, %dma_wait3A_374] : memref<50x4x128x8x128xf32, #tpu.memory_space<hbm>> -> memref<1x1x1x8x128xf32, #tpu.memory_space<hbm>>
      %dma_wait3A_376 = tpu.memref_squeeze %dma_wait3A_375 : memref<1x1x1x8x128xf32, #tpu.memory_space<hbm>> -> memref<8x128xf32, #tpu.memory_space<hbm>>
      %dma_wait3A_377 = arith.constant 0 : i32
      %dma_wait3A_378 = arith.constant 0 : i32
      %dma_wait3A_379 = tpu.memref_slice %arg4[%dma_wait3A_367, %dma_wait3A_368, %dma_wait3A_369, %dma_wait3A_377, %dma_wait3A_378] : memref<50x4x128x8x128xf32, #tpu.memory_space<hbm>> -> memref<1x1x1x8x128xf32, #tpu.memory_space<hbm>>
      %dma_wait3A_380 = tpu.memref_squeeze %dma_wait3A_379 : memref<1x1x1x8x128xf32, #tpu.memory_space<hbm>> -> memref<8x128xf32, #tpu.memory_space<hbm>>
      %dma_wait3A_381 = arith.constant 24 : i32
      %dma_wait3A_382 = arith.constant 0 : i32
      %dma_wait3A_383 = tpu.memref_slice %arg11[%dma_wait3A_381, %dma_wait3A_382] : memref<32x129xf32, #tpu.memory_space<vmem>> -> memref<8x128xf32, #tpu.memory_space<vmem>>
      tpu.wait_dma2 semaphore(%arg15 : memref<!tpu.dma_semaphore, #tpu.memory_space<semaphore_mem>>) src(%dma_wait3A_383 : memref<8x128xf32, #tpu.memory_space<vmem>>) dst(%dma_wait3A_380 : memref<8x128xf32, #tpu.memory_space<hbm>>)
    }
    %scan3A_5 = arith.constant 4 : i32
    return
  }
}

module attributes {stable_mosaic.version = 14 : i64} {
  func.func @_tc_relayout_body(%arg0: i32, %arg1: memref<32x32768xf32, #tpu.memory_space<vmem>>, %arg2: memref<8192x128xf32, #tpu.memory_space<vmem>>) attributes {dimension_semantics = [#tpu.dimension_semantics<arbitrary>], iteration_bounds = array<i64: 31>, scalar_prefetch = 0 : i64, scratch_operands = 0 : i64, tpu.core_type = #tpu.core_type<tc>, window_params = [{transform_indices = @transform_0, window_bounds = array<i64: 32, 32768>}, {transform_indices = @transform_1, window_bounds = array<i64: 8192, 128>}]} {
    %get3A = arith.constant 0 : index
    %get3A_0 = arith.constant 0 : index
    %get3A_1 = vector.load %arg1[%get3A, %get3A_0] : memref<32x32768xf32, #tpu.memory_space<vmem>>, vector<32x8192xf32>
    %transpose3A = tpu.transpose %get3A_1, [1, 0] : vector<32x8192xf32> -> vector<8192x32xf32>
    %mul3A = arith.constant 1.000000e+01 : f32
    %mul3A_2 = vector.broadcast %mul3A : f32 to vector<8192x32xf32>
    %mul3A_3 = arith.mulf %transpose3A, %mul3A_2 : vector<8192x32xf32>
    %swap3A = arith.constant 0 : index
    %swap3A_4 = arith.constant 0 : index
    %swap3A_5 = vector.load %arg2[%swap3A, %swap3A_4] : memref<8192x128xf32, #tpu.memory_space<vmem>>, vector<8192x32xf32>
    tpu.vector_store %arg2[%swap3A, %swap3A_4], %mul3A_3 {strides = array<i32>} : memref<8192x128xf32, #tpu.memory_space<vmem>>, vector<8192x32xf32>,
    %get3A_6 = arith.constant 0 : index
    %get3A_7 = arith.constant 8192 : index
    %get3A_8 = vector.load %arg1[%get3A_6, %get3A_7] : memref<32x32768xf32, #tpu.memory_space<vmem>>, vector<32x8192xf32>
    %transpose3A_9 = tpu.transpose %get3A_8, [1, 0] : vector<32x8192xf32> -> vector<8192x32xf32>
    %mul3A_10 = arith.constant 1.000000e+01 : f32
    %mul3A_11 = vector.broadcast %mul3A_10 : f32 to vector<8192x32xf32>
    %mul3A_12 = arith.mulf %transpose3A_9, %mul3A_11 : vector<8192x32xf32>
    %swap3A_13 = arith.constant 0 : index
    %swap3A_14 = arith.constant 32 : index
    %swap3A_15 = vector.load %arg2[%swap3A_13, %swap3A_14] : memref<8192x128xf32, #tpu.memory_space<vmem>>, vector<8192x32xf32>
    tpu.vector_store %arg2[%swap3A_13, %swap3A_14], %mul3A_12 {strides = array<i32>} : memref<8192x128xf32, #tpu.memory_space<vmem>>, vector<8192x32xf32>,
    %get3A_16 = arith.constant 0 : index
    %get3A_17 = arith.constant 16384 : index
    %get3A_18 = vector.load %arg1[%get3A_16, %get3A_17] : memref<32x32768xf32, #tpu.memory_space<vmem>>, vector<32x8192xf32>
    %transpose3A_19 = tpu.transpose %get3A_18, [1, 0] : vector<32x8192xf32> -> vector<8192x32xf32>
    %mul3A_20 = arith.constant 1.000000e+01 : f32
    %mul3A_21 = vector.broadcast %mul3A_20 : f32 to vector<8192x32xf32>
    %mul3A_22 = arith.mulf %transpose3A_19, %mul3A_21 : vector<8192x32xf32>
    %swap3A_23 = arith.constant 0 : index
    %swap3A_24 = arith.constant 64 : index
    %swap3A_25 = vector.load %arg2[%swap3A_23, %swap3A_24] : memref<8192x128xf32, #tpu.memory_space<vmem>>, vector<8192x32xf32>
    tpu.vector_store %arg2[%swap3A_23, %swap3A_24], %mul3A_22 {strides = array<i32>} : memref<8192x128xf32, #tpu.memory_space<vmem>>, vector<8192x32xf32>,
    %get3A_26 = arith.constant 0 : index
    %get3A_27 = arith.constant 24576 : index
    %get3A_28 = vector.load %arg1[%get3A_26, %get3A_27] : memref<32x32768xf32, #tpu.memory_space<vmem>>, vector<32x8192xf32>
    %transpose3A_29 = tpu.transpose %get3A_28, [1, 0] : vector<32x8192xf32> -> vector<8192x32xf32>
    %mul3A_30 = arith.constant 1.000000e+01 : f32
    %mul3A_31 = vector.broadcast %mul3A_30 : f32 to vector<8192x32xf32>
    %mul3A_32 = arith.mulf %transpose3A_29, %mul3A_31 : vector<8192x32xf32>
    %swap3A_33 = arith.constant 0 : index
    %swap3A_34 = arith.constant 96 : index
    %swap3A_35 = vector.load %arg2[%swap3A_33, %swap3A_34] : memref<8192x128xf32, #tpu.memory_space<vmem>>, vector<8192x32xf32>
    tpu.vector_store %arg2[%swap3A_33, %swap3A_34], %mul3A_32 {strides = array<i32>} : memref<8192x128xf32, #tpu.memory_space<vmem>>, vector<8192x32xf32>,
    return
  }
  func.func @transform_0(%arg0: i32) -> (i32, i32) {
    %c0_i32 = arith.constant 0 : i32
    %c0_i32_0 = arith.constant 0 : i32
    return %c0_i32, %arg0 : i32, i32
  }
  func.func @transform_1(%arg0: i32) -> (i32, i32) {
    %c0_i32 = arith.constant 0 : i32
    %c0_i32_0 = arith.constant 0 : i32
    return %arg0, %c0_i32 : i32, i32
  }
}

</mosaic_0001>

<sc_bundles>
// kernel: kernel.4.cloned.1.call-start
scs
__scs_entry_jumppad:
0x0: {  	(pc) =	sbr.rel $0x88, $3  }
0x1: {  	(tag) =	ssettag $0x0;
	lr =	simm.s32 $0x1  }
0x2: {  	[smem:$0x3F9F] =	sst lr;
	_ =	strace $0xD0000000  }
0x3: {  	_ = 	snop  }
0x4: {  	_ = 	snop  }
0x5: {  	_ = 	snop  }
0x6: {  	_ = 	snop  }
0x7: {  	_ = 	snop  }
__scs_overlays_trampoline_lowered:
0x8: {  	[smem:$0x3FAE] =	sst s0  }
0x9: {  	[smem:$0x3FAF] =	sst s1  }
0xa: {  	[smem:$0x3FB0] =	sst s2  }
0xb: {  	[smem:$0x3FB1] =	sst s3  }
0xc: {  	[smem:$0x3FB2] =	sst s4  }
0xd: {  	[smem:$0x3FB3] =	sst s5  }
0xe: {  	[smem:$0x3FB4] =	sst s6  }
0xf: {  	[smem:$0x3FB5] =	sst s7  }
0x10: {  	[smem:$0x3FB6] =	sst s8  }
0x11: {  	[smem:$0x3FB7] =	sst s9;
	s0 =	simm.s32 @!p0 $0x0  }
0x12: {  	s1 =	sld [smem:$0x3F9D];
	s0 =	simm.s32 @p0 $0x1  }
0x13: {  	[smem:$0x3FB8] =	sst s0;
	s0 =	simm.s32 @!p1 $0x0  }
0x14: {  	s2 =	sld [smem:$0x3F9C];
	s0 =	simm.s32 @p1 $0x1  }
0x15: {  	[smem:$0x3FB9] =	sst s0;
	s0 =	simm.s32 @!p2 $0x0  }
0x16: {  	s3 =	sld [smem:$0x3FDB];
	s0 =	simm.s32 @p2 $0x1  }
0x17: {  	s4 =	simm.s32 $0x1BF5;
	[smem:$0x3FBB] =	sst s0  }
0x18: {  	s0 =	sld [smem:$0x3F9E];
	_ =	swait.ge [sflag:s4], $0x0  }
0x19: {  	s7 =	sld [smem:$0x3F9F]  }
0x1a: {  	s8 =	sadd.s32 $0xFFFFE003, lr  }
0x1b: {  	s9 =	sadd.s32 $0xFFFFFEF7, lr;
	s5 =	simm.s32 $0xFFFFFFFF;
	p2 =	slt.u32 s8, $0xFFFFF086  }
0x1c: {  	p1 =	slt.u32 s9, $0xF7A;
	s5 =	simm.s32 @!p2 $0x0  }
0x1d: {  	s5 =	simm.s32 @p1 $0x1;
	p0 =	seq.s32 s7, s2  }
0x1e: {  	s7 =	smul.u32 @!p0 $0xF7A, s2;
	p2 =	seq.s32 @!p0 s5, $0x0  }
0x1f: {  	s9 =	smul.u32 $0xF7A, s1;
	s8 =	simm.s32 @!p0 $0x1BF5;
	p2 =	por !p2, p0  }
0x20: {  	[sflag:s8] =	ssyncset.s32 @!p0 $0xFFFFF086;
	s6 =	sadd.s32 @!p0 s3, s7;
	s7 =	simm.s32 @!p0 $0x108  }
0x21: {  	s3 =	sadd.s32 s3, s9;
	s6 =	sadd.s32 @!p0 $0x88, s6;
	s7 =	simm.s32 @p2 $0x1082  }
0x22: {  	[simem:s7], [sflag:s8] =	dma.local @!p0 [hbm:s6], $0xF7A  }
0x23: {  	s9 =	sor.u32 $0xD0000000, s2;
	s6 =	simm.s32 $0x108;
	_ =	swait.ge @!p0 [sflag:s8], $0x0  }
0x24: {  	s3 =	sadd.s32 $0x88, s3;
	s6 =	simm.s32 @!p1 $0x1082;
	[sflag:s4] =	ssyncset.s32 $0xFFFFF086  }
0x25: {  	[simem:s6], [sflag:s4] =	dma.local [hbm:s3], $0xF7A  }
0x26: {  	[smem:$0x3F9F] =	sst s1;
	(tag) =	ssettag s2;
	_ =	strace s9  }
0x27: {  	s1 =	sld [smem:$0x3FAF]  }
0x28: {  	s2 =	sld [smem:$0x3FB0]  }
0x29: {  	s4 =	sld [smem:$0x3FB2]  }
0x2a: {  	p0 =	seq.s32 s5, $0x0;
	s5 =	sld [smem:$0x3FB3]  }
0x2b: {  	s6 =	sld [smem:$0x3FB4]  }
0x2c: {  	s7 =	sld [smem:$0x3FB5]  }
0x2d: {  	s3 =	simm.s32 $0x108;
	s8 =	sld [smem:$0x3FB6]  }
0x2e: {  	s3 =	simm.s32 @!p0 $0x1082;
	s9 =	sld [smem:$0x3FB7]  }
0x2f: {  	lr =	sadd.s32 s0, s3;
	s0 =	sld [smem:$0x3FAE]  }
0x30: {  	s3 =	sld [smem:$0x3FB1]  }
0x31: {  	[smem:$0x3FBA] =	sst s10  }
0x32: {  	s10 =	sld [smem:$0x3FB8];
	_ =	sdelay $0x3  }
0x33: {  	p0 =	seq.s32 s10, $0x1;
	s10 =	sld [smem:$0x3FBA];
	_ =	sdelay $0x3  }
0x34: {  	[smem:$0x3FBA] =	sst s10  }
0x35: {  	s10 =	sld [smem:$0x3FB9];
	_ =	sdelay $0x3  }
0x36: {  	p1 =	seq.s32 s10, $0x1;
	s10 =	sld [smem:$0x3FBA];
	_ =	sdelay $0x3  }
0x37: {  	[smem:$0x3FBA] =	sst s10  }
0x38: {  	s10 =	sld [smem:$0x3FBB]  }
0x39: {  	_ = 	snop;
	(pc) =	sbr.ind lr, $3  }
0x3a: {  	_ = 	snop  }
0x3b: {  	_ = 	snop  }
0x3c: {  	p2 =	seq.s32 s10, $0x1;
	s10 =	sld [smem:$0x3FBA]  }
0x3d: {  	_ =	shalt  }
0x3e: {  	_ =	shalt  }
0x3f: {  	_ =	shalt  }
0x40: {  	_ =	shalt  }
0x41: {  	_ =	shalt  }
0x42: {  	_ =	shalt  }
0x43: {  	_ =	shalt  }
0x44: {  	_ =	shalt  }
0x45: {  	_ =	shalt  }
0x46: {  	_ =	shalt  }
0x47: {  	_ =	shalt  }
0x48: {  	_ =	shalt  }
0x49: {  	_ =	shalt  }
0x4a: {  	_ =	shalt  }
0x4b: {  	_ =	shalt  }
0x4c: {  	_ =	shalt  }
0x4d: {  	_ =	shalt  }
0x4e: {  	_ =	shalt  }
0x4f: {  	_ =	shalt  }
0x50: {  	_ =	shalt  }
0x51: {  	_ =	shalt  }
0x52: {  	_ =	shalt  }
0x53: {  	_ =	shalt  }
0x54: {  	_ =	shalt  }
0x55: {  	_ =	shalt  }
0x56: {  	_ =	shalt  }
0x57: {  	_ =	shalt  }
0x58: {  	_ =	shalt  }
0x59: {  	_ =	shalt  }
0x5a: {  	_ =	shalt  }
0x5b: {  	_ =	shalt  }
0x5c: {  	_ =	shalt  }
0x5d: {  	_ =	shalt  }
0x5e: {  	_ =	shalt  }
0x5f: {  	_ =	shalt  }
0x60: {  	_ =	shalt  }
0x61: {  	_ =	shalt  }
0x62: {  	_ =	shalt  }
0x63: {  	_ =	shalt  }
0x64: {  	_ =	shalt  }
0x65: {  	_ =	shalt  }
0x66: {  	_ =	shalt  }
0x67: {  	_ =	shalt  }
0x68: {  	_ =	shalt  }
0x69: {  	_ =	shalt  }
0x6a: {  	_ =	shalt  }
0x6b: {  	_ =	shalt  }
0x6c: {  	_ =	shalt  }
0x6d: {  	_ =	shalt  }
0x6e: {  	_ =	shalt  }
0x6f: {  	_ =	shalt  }
0x70: {  	_ =	shalt  }
0x71: {  	_ =	shalt  }
0x72: {  	_ =	shalt  }
0x73: {  	_ =	shalt  }
0x74: {  	_ =	shalt  }
0x75: {  	_ =	shalt  }
0x76: {  	_ =	shalt  }
0x77: {  	_ =	shalt  }
0x78: {  	_ =	shalt  }
0x79: {  	_ =	shalt  }
0x7a: {  	_ =	shalt  }
0x7b: {  	_ =	shalt  }
0x7c: {  	_ =	shalt  }
0x7d: {  	_ =	shalt  }
0x7e: {  	_ =	shalt  }
0x7f: {  	_ =	shalt  }
0x80: {  	_ =	shalt  }
0x81: {  	_ =	shalt  }
0x82: {  	_ =	shalt  }
0x83: {  	_ =	shalt  }
0x84: {  	_ =	shalt  }
0x85: {  	_ =	shalt  }
0x86: {  	_ =	shalt  }
0x87: {  	_ =	shalt  }
.Lfunc_end0:
.L_simem_size_0:
called_computation_lowered:
.L_overlay_start_0:
0x88: {  	s2 =	sld [smem:$0x3FD9]  }
0x89: {  	s3 =	sld [smem:$0x3FFE];
	_ =	sdelay $0x1  }
0x8a: {  	s1 =	srdreg.scid  }
0x8b: {  	s0 =	sand.u32 $0x1, s1  }
0x8c: {  	s17 =	sshll.u32 s0, $0xA;
	s2 =	sadd.s32 s3, s2  }
0x8d: {  	s2 =	sadd.s32 s2, s17  }
0x8e: {  	[smem:$0x3FC6] =	sst s2  }
0x8f: {  	_ = 	snop  }
0x90: {  	s2 =	sld [smem:$0x3FD0];
	(tm) =	ssettm $0x1  }
0x91: {  	s18 =	sld [smem:$0x3FFB];
	_ =	sdelay $0x3  }
0x92: {  	_ =	strace s18  }
0x93: {  	s3 =	sld [smem:$0x3FFC];
	_ =	sdelay $0x3  }
0x94: {  	_ =	strace s3  }
0x95: {  	s3 =	sld [smem:$0x3FFD];
	_ =	sdelay $0x3  }
0x96: {  	_ =	strace s3  }
0x97: {  	_ =	strace $0x8FFFFFFF  }
0x98: {  	s19 =	sld [smem:$0x3FDB];
	_ =	sdelay $0x1  }
0x99: {  	s4 =	simm.s32 $_scs_section_size  }
0x9a: {  	s5 =	simm.s32 $_size__tile_overlayer_lowered;
	s6 =	simm.s32 $_tile_overlayer_lowered  }
0x9b: {  	s22 =	simm.s32 $0x1BFF;
	s21 =	sshll.u32 s6, $0x1;
	s3 =	sadd.s32 s4, s19  }
0x9c: {  	s7 =	simm.s32 $0x0;
	s20 =	sshll.u32 s5, $0x1;
	s5 =	sadd.s32 s21, s3  }
0x9d: {  	[timem:s7], [sflag:s22] =	dma.local [hbm:s5], s20  }
0x9e: {  	_ =	swait.ge [sflag:s22], s20  }
0x9f: {  	s4 =	ssub.s32 $0x0, s20;
	[sflag:s22] =	ssyncset.done $0x0  }
0xa0: {  	[sflag:s22] =	ssyncadd.s32 s4;
	_ =	sdelay $0x1  }
0xa1: {  	s23 =	simm.s32 $0x1B8B  }
0xa2: {  	_ =	swait.ge [sflag:s23], $0x1  }
0xa3: {  	[sflag:s23] =	ssyncset.done $0x0  }
0xa4: {  	s25 =	simm.s32 $0x1B8E;
	s24 =	sld [smem:$0x3FFE];
	[sflag:s23] =	ssyncadd.s32 $0xFFFFFFFF  }
0xa5: {  	s26 =	simm.s32 $execute0_lowered;
	[smem:$0x3FD2] =	sst s25  }
0xa6: {  	s5 =	sshll.u32 s26, $0x1;
	_ =	strace $0x80000046;
	[dreg:$0x1] =	wrdreg $0xFFFFFFFF  }
0xa7: {  	s28 =	simm.s32 $_size_execute0_lowered;
	s3 =	sadd.s32 s3, s5;
	[dreg:$0x0] =	wrdreg $0x0  }
0xa8: {  	s5 =	sshll.u32 s28, $0x1;
	[dreg:$0x2] =	wrdreg s3  }
0xa9: {  	[dreg:$0x3] =	wrdreg s5  }
0xaa: {  	[dreg:$0x4] =	wrdreg $0xC0  }
0xab: {  	_ =	task [dreg:s7], $0x5FFFF  }
0xac: {  	[dreg:$0x1] =	wrdreg $0xFFFFFFFF  }
0xad: {  	[dreg:$0x0] =	wrdreg $0x60  }
0xae: {  	[dreg:$0x2] =	wrdreg s24  }
0xaf: {  	[dreg:$0x3] =	wrdreg s2  }
0xb0: {  	[dreg:$0x4] =	wrdreg $0x9  }
0xb1: {  	_ =	task.clear_ibuf [dreg:s7], $0x5FFFF;
	_ =	strace $0x90000046  }
0xb2: {  	s29 =	simm.s32 $0x9;
	_ =	strace $0x80000048  }
0xb3: {  	_ =	swait.ge [sflag:s29], $0x1  }
0xb4: {  	[sflag:s29] =	ssyncadd.s32 $0xFFFFFFFF  }
0xb5: {  	_ =	strace $0x90000048  }
0xb6: {  	_ =	sfence  }
0xb7: {  	s30 =	sld [smem:$0x0];
	_ =	sdelay $0x2  }
0xb8: {  	s31 =	sshll.u32 s1, $0xD;
	s1 =	sshrl.u32 s1, $0x2  }
0xb9: {  	s3 =	sand.u32 $0x4000, s31;
	s1 =	sadd.s32 s1, s30  }
0xba: {  	s0 =	sor.u32 s3, s0;
	s1 =	sshll.u32 s1, $0x11  }
0xbb: {  	s0 =	sor.u32 s1, s0  }
0xbc: {  	s0 =	sadd.s32 $0x8F2B, s0  }
0xbd: {  	[sflag:s0] =	ssyncadd.remote.s32 $0x1  }
0xbe: {  	_ =	sfence.sel $0xFFFF  }
0xbf: {  	[dreg:$0x0] =	wrdreg $0xFFFFFFFF;
	(pc) =	sbr.abs _section_cstart, $3  }
0xc0: {  	[dreg:$0x1] =	wrdreg $0xFFFFFFFF  }
0xc1: {  	_ =	task.clear_ibuf [dreg:s7], $0x2FFFF;
	_ =	strace $0x9FFFFFFF  }
0xc2: {  	(tm) =	ssettm $0x7FFFFFFF  }
0xc3: {  	_ =	shalt  }
tec
execute0_lowered:
.L_overlay_start_1:
0x0: {  	(tag) =	ssettag $0x1  }
0x1: {  	s0 =	rddreg [dreg:$0x0]  }
0x2: {  	s1 =	rddreg [dreg:$0x1];
	s2 =	simm.s32 $0x0;
	s3 =	srdreg.scid  }
0x3: {  	s6 =	stileid.u32;
	s9 =	simm.s32 $0x80;
	s14 =	simm.s32 $0x1  }
0x4: {  	s15 =	simm.s32 $0x6100;
	s22 =	simm.s32 $0x2;
	s23 =	simm.s32 $0x4  }
0x5: {  	s18 =	simm.s32 $0x7C18;
	s19 =	simm.s32 $0x7CA0;
	s20 =	simm.s32 $0x7D28  }
0x6: {  	s21 =	simm.s32 $0x7DB0;
	s28 =	simm.s32 $0x7F48;
	s29 =	simm.s32 $0x7FD0  }
0x7: {  	s30 =	simm.s32 $0x8058;
	s31 =	simm.s32 $0x80E0;
	s7 =	simm.s32 $0x8278  }
0x8: {  	[smem:$0x7FF] =	sst s2;
	s3 =	sand.u32 $0x1, s3;
	s5 =	sadd.s32 $0x3E0400, s0  }
0x9: {  	v3 =	vlaneseq.u32;
	s6 =	sshll.u32 s6, $0x3;
	_ =	strace $0x80000047;
	s4 =	ssub.s32 $0x2, s3  }
0xa: {  	v0 =	vmul.u32 $0x80, v3;
	[dreg:$0x3] =	wrdreg s5;
	s3 =	sshll.u32 s3, $0x2;
	s5 =	sadd.s32 $0x400, s0  }
0xb: {  	s0 =	simm.s32 $0x8168;
	s24 =	sshrl.u32 s4, $0x1;
	s25 =	sor.u32 s3, s6  }
0xc: {  	v3 =	vmul.u32 $0x88, v3;
	v1 =	vor.u32 $0x800, v0;
	v2 =	vor.u32 $0x1000, v0;
	s3 =	simm.s32 $0x81F0;
	s6 =	simm.s32 $0x0;
	s4 =	ssub.s32 s4, s24  }
0xd: {  	v4 =	vor.u32 $0x1800, v0;
	v5 =	vor.u32 $0x2000, v0;
	v6 =	vor.u32 $0x2800, v0;
	[dreg:$0x4] =	wrdreg s25;
	s24 =	simm.s32 $0x7200;
	s26 =	smax.u32 s4, $0x1  }
0xe: {  	v7 =	vor.u32 $0x3000, v0;
	v8 =	vor.u32 $0x3800, v0;
	v9 =	vadd.s32 $0x880, v3;
	s25 =	simm.s32 $0x7E38;
	[dreg:$0x5] =	wrdreg s26;
	s26 =	simm.s32 $0x7EC0  }
.LBB2_1:
0xf: {  	[dreg:$0x6] =	wrdreg s6;
	s6 =	simm.s32 $0x0  }
.LBB2_2:
0x10: {  	s4 =	rddreg [dreg:$0x4]  }
0x11: {  	[dreg:$0x7] =	wrdreg s6;
	s13 =	sadd.s32 s4, s6  }
0x12: {  	s8 =	rddreg [dreg:$0x3];
	s4 =	sshll.u32 s13, $0xB  }
0x13: {  	s16 =	simm.s32 $0x5;
	s8 =	sadd.s32 s8, s4;
	s4 =	simm.s32 $0x0  }
0x14: {  	[tilespmem:s4], [sflag:$0x5] =	stream.linear.gather [hbm4b:s8+s4], $0x4000, $0x38;
	[tilespmem:$0x8300] =	vst v63  }
0x15: {  	_ =	swait.ge [sflag:s16], $0x4000  }
0x16: {  	[sflag:s16] =	ssyncset.done $0x0  }
0x17: {  	[sflag:s16] =	ssyncadd.s32 $0xFFFFC000  }
0x18: {  	v10 =	vld.idx.msk [tilespmem:v0+s4+$0x0], $0xffff;
	_ =	sdelay $0x4  }
0x19: {  	v11 =	vshll.u32 v10, $0x2  }
0x1a: {  	v12 =	vand.u32 $0xFFFF8000, v10;
	v10 =	vshrl.u32 v10, $0xD;
	v11 =	vand.u32 $0x7FFC, v11  }
0x1b: {  	v10 =	vand.u32 $0x3, v10;
	v11 =	vor.u32 v12, v11  }
0x1c: {  	v10 =	vor.u32 v10, v11  }
0x1d: {  	[tilespmem:$0x4000] =	vst v10  }
0x1e: {  	v10 =	vld.idx.msk [tilespmem:v1+s4+$0x0], $0xffff;
	_ =	sdelay $0x4  }
0x1f: {  	v11 =	vshll.u32 v10, $0x2  }
0x20: {  	v57 =	vand.u32 $0xFFFF8000, v10;
	v10 =	vshrl.u32 v10, $0xD;
	v11 =	vand.u32 $0x7FFC, v11  }
0x21: {  	v10 =	vand.u32 $0x3, v10;
	v11 =	vor.u32 v57, v11  }
0x22: {  	v10 =	vor.u32 v10, v11  }
0x23: {  	[tilespmem:$0x4010] =	vst v10  }
0x24: {  	v10 =	vld.idx.msk [tilespmem:v2+s4+$0x0], $0xffff;
	_ =	sdelay $0x4  }
0x25: {  	v11 =	vshll.u32 v10, $0x2  }
0x26: {  	v58 =	vand.u32 $0xFFFF8000, v10;
	v10 =	vshrl.u32 v10, $0xD;
	v11 =	vand.u32 $0x7FFC, v11  }
0x27: {  	v10 =	vand.u32 $0x3, v10;
	v11 =	vor.u32 v58, v11  }
0x28: {  	v10 =	vor.u32 v10, v11  }
0x29: {  	[tilespmem:$0x4020] =	vst v10  }
0x2a: {  	v10 =	vld.idx.msk [tilespmem:v4+s4+$0x0], $0xffff;
	_ =	sdelay $0x4  }
0x2b: {  	v11 =	vshll.u32 v10, $0x2  }
0x2c: {  	v59 =	vand.u32 $0xFFFF8000, v10;
	v10 =	vshrl.u32 v10, $0xD;
	v11 =	vand.u32 $0x7FFC, v11  }
0x2d: {  	v10 =	vand.u32 $0x3, v10;
	v11 =	vor.u32 v59, v11  }
0x2e: {  	v10 =	vor.u32 v10, v11  }
0x2f: {  	[tilespmem:$0x4030] =	vst v10  }
0x30: {  	v10 =	vld.idx.msk [tilespmem:v5+s4+$0x0], $0xffff;
	_ =	sdelay $0x4  }
0x31: {  	v11 =	vshll.u32 v10, $0x2  }
0x32: {  	v60 =	vand.u32 $0xFFFF8000, v10;
	v10 =	vshrl.u32 v10, $0xD;
	v11 =	vand.u32 $0x7FFC, v11  }
0x33: {  	v10 =	vand.u32 $0x3, v10;
	v11 =	vor.u32 v60, v11  }
0x34: {  	v10 =	vor.u32 v10, v11  }
0x35: {  	[tilespmem:$0x4040] =	vst v10  }
0x36: {  	v10 =	vld.idx.msk [tilespmem:v6+s4+$0x0], $0xffff;
	_ =	sdelay $0x4  }
0x37: {  	v11 =	vshll.u32 v10, $0x2  }
0x38: {  	v61 =	vand.u32 $0xFFFF8000, v10;
	v10 =	vshrl.u32 v10, $0xD;
	v11 =	vand.u32 $0x7FFC, v11  }
0x39: {  	v10 =	vand.u32 $0x3, v10;
	v11 =	vor.u32 v61, v11  }
0x3a: {  	v10 =	vor.u32 v10, v11  }
0x3b: {  	[tilespmem:$0x4050] =	vst v10  }
0x3c: {  	v10 =	vld.idx.msk [tilespmem:v7+s4+$0x0], $0xffff;
	_ =	sdelay $0x4  }
0x3d: {  	v11 =	vshll.u32 v10, $0x2  }
0x3e: {  	v62 =	vand.u32 $0xFFFF8000, v10;
	v10 =	vshrl.u32 v10, $0xD;
	v11 =	vand.u32 $0x7FFC, v11  }
0x3f: {  	v10 =	vand.u32 $0x3, v10;
	v11 =	vor.u32 v62, v11  }
0x40: {  	v10 =	vor.u32 v10, v11  }
0x41: {  	[tilespmem:$0x4060] =	vst v10  }
0x42: {  	v10 =	vld.idx.msk [tilespmem:v8+s4+$0x0], $0xffff;
	_ =	sdelay $0x4  }
0x43: {  	v11 =	vshll.u32 v10, $0x2  }
0x44: {  	v63 =	vand.u32 $0xFFFF8000, v10;
	v10 =	vshrl.u32 v10, $0xD;
	v11 =	vand.u32 $0x7FFC, v11  }
0x45: {  	v10 =	vand.u32 $0x3, v10;
	v11 =	vor.u32 v63, v11  }
0x46: {  	s17 =	simm.s32 $0x4000;
	v10 =	vor.u32 v10, v11  }
0x47: {  	s10 =	simm.s32 $0x4100;
	s6 =	sshll.u32 s13, $0xA;
	s8 =	simm.s32 $0x0;
	[tilespmem:$0x4070] =	vst v10  }
0x48: {  	[tilespmem:s10], [sflag:$0x1] =	stream.indirect.gather [hbm4b:s5+s9], $0x20, s17, s9, $0xb8;
	[tilespmem:$0x8300] =	vst v63  }
.LBB2_3:
0x49: {  	s10 =	sshllo.u32 s8, $0x1  }
0x4a: {  	v10 =	vor.u32 s10, v0;
	_ =	sdelay $0x4  }
0x4b: {  	v10 =	vld.idx.msk [tilespmem:v10+s2+$0x0], $0xffff;
	_ =	sdelay $0x4  }
0x4c: {  	v12 =	vor.u32 s10, v1;
	v11 =	vshll.u32 v10, $0x2  }
0x4d: {  	v13 =	vand.u32 $0xFFFF8000, v10;
	v10 =	vshrl.u32 v10, $0xD;
	v11 =	vand.u32 $0x7FFC, v11  }
0x4e: {  	v10 =	vand.u32 $0x3, v10;
	v11 =	vor.u32 v13, v11  }
0x4f: {  	v10 =	vor.u32 v10, v11  }
0x50: {  	[tilespmem:$0x4080] =	vst v10  }
0x51: {  	v10 =	vld.idx.msk [tilespmem:v12+s2+$0x0], $0xffff;
	_ =	sdelay $0x4  }
0x52: {  	v12 =	vor.u32 s10, v2;
	v11 =	vshll.u32 v10, $0x2  }
0x53: {  	v13 =	vand.u32 $0xFFFF8000, v10;
	v10 =	vshrl.u32 v10, $0xD;
	v11 =	vand.u32 $0x7FFC, v11  }
0x54: {  	v10 =	vand.u32 $0x3, v10;
	v11 =	vor.u32 v13, v11  }
0x55: {  	v10 =	vor.u32 v10, v11  }
0x56: {  	[tilespmem:$0x4090] =	vst v10  }
0x57: {  	v10 =	vld.idx.msk [tilespmem:v12+s2+$0x0], $0xffff;
	_ =	sdelay $0x4  }
0x58: {  	v12 =	vor.u32 s10, v4;
	v11 =	vshll.u32 v10, $0x2  }
0x59: {  	v13 =	vand.u32 $0xFFFF8000, v10;
	v10 =	vshrl.u32 v10, $0xD;
	v11 =	vand.u32 $0x7FFC, v11  }
0x5a: {  	v10 =	vand.u32 $0x3, v10;
	v11 =	vor.u32 v13, v11  }
0x5b: {  	v10 =	vor.u32 v10, v11  }
0x5c: {  	[tilespmem:$0x40A0] =	vst v10  }
0x5d: {  	v10 =	vld.idx.msk [tilespmem:v12+s2+$0x0], $0xffff;
	_ =	sdelay $0x4  }
0x5e: {  	v12 =	vor.u32 s10, v5;
	v11 =	vshll.u32 v10, $0x2  }
0x5f: {  	v13 =	vand.u32 $0xFFFF8000, v10;
	v10 =	vshrl.u32 v10, $0xD;
	v11 =	vand.u32 $0x7FFC, v11  }
0x60: {  	v10 =	vand.u32 $0x3, v10;
	v11 =	vor.u32 v13, v11  }
0x61: {  	v10 =	vor.u32 v10, v11  }
0x62: {  	[tilespmem:$0x40B0] =	vst v10  }
0x63: {  	v10 =	vld.idx.msk [tilespmem:v12+s2+$0x0], $0xffff;
	_ =	sdelay $0x4  }
0x64: {  	v12 =	vor.u32 s10, v6;
	v11 =	vshll.u32 v10, $0x2  }
0x65: {  	v13 =	vand.u32 $0xFFFF8000, v10;
	v10 =	vshrl.u32 v10, $0xD;
	v11 =	vand.u32 $0x7FFC, v11  }
0x66: {  	v10 =	vand.u32 $0x3, v10;
	v11 =	vor.u32 v13, v11  }
0x67: {  	v10 =	vor.u32 v10, v11  }
0x68: {  	[tilespmem:$0x40C0] =	vst v10  }
0x69: {  	v10 =	vld.idx.msk [tilespmem:v12+s2+$0x0], $0xffff;
	_ =	sdelay $0x4  }
0x6a: {  	v12 =	vor.u32 s10, v7;
	v11 =	vshll.u32 v10, $0x2  }
0x6b: {  	v13 =	vand.u32 $0xFFFF8000, v10;
	v10 =	vshrl.u32 v10, $0xD;
	v11 =	vand.u32 $0x7FFC, v11  }
0x6c: {  	v10 =	vand.u32 $0x3, v10;
	v11 =	vor.u32 v13, v11  }
0x6d: {  	v10 =	vor.u32 v10, v11  }
0x6e: {  	[tilespmem:$0x40D0] =	vst v10  }
0x6f: {  	v10 =	vld.idx.msk [tilespmem:v12+s2+$0x0], $0xffff;
	_ =	sdelay $0x4  }
0x70: {  	v12 =	vor.u32 s10, v8;
	v11 =	vshll.u32 v10, $0x2  }
0x71: {  	v13 =	vand.u32 $0xFFFF8000, v10;
	v10 =	vshrl.u32 v10, $0xD;
	v11 =	vand.u32 $0x7FFC, v11  }
0x72: {  	v10 =	vand.u32 $0x3, v10;
	v11 =	vor.u32 v13, v11  }
0x73: {  	v10 =	vor.u32 v10, v11  }
0x74: {  	[tilespmem:$0x40E0] =	vst v10  }
0x75: {  	v10 =	vld.idx.msk [tilespmem:v12+s2+$0x0], $0xffff;
	_ =	sdelay $0x4  }
0x76: {  	v11 =	vshll.u32 v10, $0x2  }
0x77: {  	v12 =	vand.u32 $0xFFFF8000, v10;
	v10 =	vshrl.u32 v10, $0xD;
	v11 =	vand.u32 $0x7FFC, v11  }
0x78: {  	v10 =	vand.u32 $0x3, v10;
	v11 =	vor.u32 v12, v11  }
0x79: {  	v10 =	vor.u32 v10, v11  }
0x7a: {  	s11 =	simm.s32 $0x4080;
	s12 =	simm.s32 $0x5100;
	[tilespmem:$0x40F0] =	vst v10  }
0x7b: {  	[tilespmem:s12], [sflag:$0x2] =	stream.indirect.gather [hbm4b:s5+s9], $0x20, s11, s9, $0xb8;
	[tilespmem:$0x8300] =	vst v63  }
0x7c: {  	_ =	swait.ge [sflag:s14], $0x1000  }
0x7d: {  	p0 =	seq.s32 s8, $0x0;
	[sflag:s14] =	ssyncset.done $0x0  }
0x7e: {  	s11 =	simm.s32 @!p0 $0x3;
	[sflag:s14] =	ssyncadd.s32 $0xFFFFF000  }
0x7f: {  	_ =	swait.ge @!p0 [sflag:s11], $0x400  }
0x80: {  	[sflag:s11] =	ssyncset.done @!p0 $0x0  }
0x81: {  	[sflag:s11] =	ssyncadd.s32 @!p0 $0xFFFFFC00  }
0x82: {  	_ =	swait.ge @!p0 [sflag:s11], $0x400  }
0x83: {  	[sflag:s11] =	ssyncset.done @!p0 $0x0  }
0x84: {  	[sflag:s11] =	ssyncadd.s32 @!p0 $0xFFFFFC00  }
0x85: {  	_ =	swait.ge @!p0 [sflag:s11], $0x400  }
0x86: {  	[sflag:s11] =	ssyncset.done @!p0 $0x0  }
0x87: {  	[sflag:s11] =	ssyncadd.s32 @!p0 $0xFFFFFC00  }
0x88: {  	_ =	swait.ge @!p0 [sflag:s11], $0x400  }
0x89: {  	v10 =	vmov s4;
	[sflag:s11] =	ssyncset.done @!p0 $0x0  }
0x8a: {  	s12 =	simm.s32 $0x4110;
	v11 =	vand.u32 $0x7F, v10;
	[sflag:s11] =	ssyncadd.s32 @!p0 $0xFFFFFC00  }
0x8b: {  	v12 =	vadd.s32 v3, v11;
	v10 =	vld [tilespmem:s12+$0xFFFFFFF0];
	_ =	sdelay $0x4  }
0x8c: {  	[tilespmem:v12+s15+$0x0] =	vst.idx.msk $0xffff, v10  }
0x8d: {  	v11 =	vadd.s32 v9, v11;
	v10 =	vld [tilespmem:s12+$0x0];
	_ =	sdelay $0x2  }
0x8e: {  	s13 =	simm.s32 $0x1  }
0x8f: {  	s11 =	sshll.u32 s8, $0x1;
	v12 =	vmov s13;
	s13 =	simm.s32 $0x2  }
.LBB2_4:
0x90: {  	p1 =	sne.s32 s13, $0x7F;
	v12 =	vand.u32 $0x7F, v12;
	[tilespmem:v11+s15+$0x0] =	vst.idx.msk $0xffff, v10;
	s12 =	sadd.s32 $0x20, s12  }
0x91: {  	v10 =	vld [tilespmem:s12+$0xFFFFFFF0];
	v11 =	vadd.s32 v3, v12;
	_ =	sdelay $0x4  }
0x92: {  	[tilespmem:v11+s15+$0x0] =	vst.idx.msk $0xffff, v10  }
.Ltmp0:
0x93: {  	v11 =	vadd.s32 v9, v12;
	v10 =	vld [tilespmem:s12+$0x0];
	(pc) =	sbr.rel @p1 .LBB2_4-.Ltmp0, $2  }
0x94: {  	_ =	sdelay $0x2  }
0x95: {  	v12 =	vmov s13;
	s13 =	sadd.s32 $0x1, s13  }
0x96: {  	_ =	sdelay $0x3  }
0x97: {  	v12 =	vand.u32 $0x7F, v12;
	[tilespmem:v11+s15+$0x0] =	vst.idx.msk $0xffff, v10;
	s12 =	sadd.s32 $0x20, s12  }
0x98: {  	v10 =	vld [tilespmem:s12+$0xFFFFFFF0];
	v11 =	vadd.s32 v3, v12;
	_ =	sdelay $0x4  }
0x99: {  	[tilespmem:v11+s15+$0x0] =	vst.idx.msk $0xffff, v10  }
0x9a: {  	v11 =	vadd.s32 v9, v12;
	v10 =	vld [tilespmem:s12+$0x0];
	_ =	sdelay $0x1  }
0x9b: {  	s16 =	sshll.u32 s8, $0x14  }
0x9c: {  	s12 =	sadd.s32 s6, s16  }
0x9d: {  	s12 =	sshrl.u32 s12, $0x3  }
0x9e: {  	s13 =	sadd.s32 s1, s12;
	[tilespmem:v11+s15+$0x0] =	vst.idx.msk $0xffff, v10  }
0x9f: {  	[hbm4b:s13+s2] =	stream.linear.scatter [tilespmem:s15], [sflag:$0x3], $0x80, $0x38;
	[tilespmem:$0x8300] =	vst v63  }
0xa0: {  	s17 =	simm.s32 $0x6188;
	s16 =	sadd.s32 $0x10, s13  }
0xa1: {  	[hbm4b:s16+s2] =	stream.linear.scatter [tilespmem:s17], [sflag:$0x3], $0x80, $0x38;
	[tilespmem:$0x8300] =	vst v63  }
0xa2: {  	s16 =	sadd.s32 $0x20, s13;
	s17 =	simm.s32 $0x6210  }
0xa3: {  	[hbm4b:s16+s2] =	stream.linear.scatter [tilespmem:s17], [sflag:$0x3], $0x80, $0x38;
	[tilespmem:$0x8300] =	vst v63  }
0xa4: {  	s16 =	sadd.s32 $0x30, s13;
	s17 =	simm.s32 $0x6298  }
0xa5: {  	[hbm4b:s16+s2] =	stream.linear.scatter [tilespmem:s17], [sflag:$0x3], $0x80, $0x38;
	[tilespmem:$0x8300] =	vst v63  }
0xa6: {  	s16 =	sadd.s32 $0x40, s13;
	s17 =	simm.s32 $0x6320  }
0xa7: {  	[hbm4b:s16+s2] =	stream.linear.scatter [tilespmem:s17], [sflag:$0x3], $0x80, $0x38;
	[tilespmem:$0x8300] =	vst v63  }
0xa8: {  	s16 =	sadd.s32 $0x50, s13;
	s17 =	simm.s32 $0x63A8  }
0xa9: {  	[hbm4b:s16+s2] =	stream.linear.scatter [tilespmem:s17], [sflag:$0x3], $0x80, $0x38;
	[tilespmem:$0x8300] =	vst v63  }
0xaa: {  	s16 =	sadd.s32 $0x60, s13;
	s17 =	simm.s32 $0x6430  }
0xab: {  	[hbm4b:s16+s2] =	stream.linear.scatter [tilespmem:s17], [sflag:$0x3], $0x80, $0x38;
	[tilespmem:$0x8300] =	vst v63  }
0xac: {  	s13 =	sadd.s32 $0x70, s13;
	s17 =	simm.s32 $0x64B8;
	s16 =	sor.u32 $0x4000, s12  }
0xad: {  	[hbm4b:s13+s2] =	stream.linear.scatter [tilespmem:s17], [sflag:$0x3], $0x80, $0x38;
	[tilespmem:$0x8300] =	vst v63  }
0xae: {  	s13 =	sadd.s32 s1, s16;
	s17 =	simm.s32 $0x6540  }
0xaf: {  	[hbm4b:s13+s2] =	stream.linear.scatter [tilespmem:s17], [sflag:$0x3], $0x80, $0x38;
	[tilespmem:$0x8300] =	vst v63  }
0xb0: {  	s16 =	sadd.s32 $0x10, s13;
	s17 =	simm.s32 $0x65C8  }
0xb1: {  	[hbm4b:s16+s2] =	stream.linear.scatter [tilespmem:s17], [sflag:$0x3], $0x80, $0x38;
	[tilespmem:$0x8300] =	vst v63  }
0xb2: {  	s16 =	sadd.s32 $0x20, s13;
	s17 =	simm.s32 $0x6650  }
0xb3: {  	[hbm4b:s16+s2] =	stream.linear.scatter [tilespmem:s17], [sflag:$0x3], $0x80, $0x38;
	[tilespmem:$0x8300] =	vst v63  }
0xb4: {  	s16 =	sadd.s32 $0x30, s13;
	s17 =	simm.s32 $0x66D8  }
0xb5: {  	[hbm4b:s16+s2] =	stream.linear.scatter [tilespmem:s17], [sflag:$0x3], $0x80, $0x38;
	[tilespmem:$0x8300] =	vst v63  }
0xb6: {  	s16 =	sadd.s32 $0x40, s13;
	s17 =	simm.s32 $0x6760  }
0xb7: {  	[hbm4b:s16+s2] =	stream.linear.scatter [tilespmem:s17], [sflag:$0x3], $0x80, $0x38;
	[tilespmem:$0x8300] =	vst v63  }
0xb8: {  	s16 =	sadd.s32 $0x50, s13;
	s17 =	simm.s32 $0x67E8  }
0xb9: {  	[hbm4b:s16+s2] =	stream.linear.scatter [tilespmem:s17], [sflag:$0x3], $0x80, $0x38;
	[tilespmem:$0x8300] =	vst v63  }
0xba: {  	s16 =	sadd.s32 $0x60, s13;
	s17 =	simm.s32 $0x6870  }
0xbb: {  	[hbm4b:s16+s2] =	stream.linear.scatter [tilespmem:s17], [sflag:$0x3], $0x80, $0x38;
	[tilespmem:$0x8300] =	vst v63  }
0xbc: {  	s13 =	sadd.s32 $0x70, s13;
	s17 =	simm.s32 $0x68F8;
	s16 =	sor.u32 $0x8000, s12  }
0xbd: {  	[hbm4b:s13+s2] =	stream.linear.scatter [tilespmem:s17], [sflag:$0x3], $0x80, $0x38;
	[tilespmem:$0x8300] =	vst v63  }
0xbe: {  	s13 =	sadd.s32 s1, s16;
	s17 =	simm.s32 $0x6980  }
0xbf: {  	[hbm4b:s13+s2] =	stream.linear.scatter [tilespmem:s17], [sflag:$0x3], $0x80, $0x38;
	[tilespmem:$0x8300] =	vst v63  }
0xc0: {  	s16 =	sadd.s32 $0x10, s13;
	s17 =	simm.s32 $0x6A08  }
0xc1: {  	[hbm4b:s16+s2] =	stream.linear.scatter [tilespmem:s17], [sflag:$0x3], $0x80, $0x38;
	[tilespmem:$0x8300] =	vst v63  }
0xc2: {  	s16 =	sadd.s32 $0x20, s13;
	s17 =	simm.s32 $0x6A90  }
0xc3: {  	[hbm4b:s16+s2] =	stream.linear.scatter [tilespmem:s17], [sflag:$0x3], $0x80, $0x38;
	[tilespmem:$0x8300] =	vst v63  }
0xc4: {  	s16 =	sadd.s32 $0x30, s13;
	s17 =	simm.s32 $0x6B18  }
0xc5: {  	[hbm4b:s16+s2] =	stream.linear.scatter [tilespmem:s17], [sflag:$0x3], $0x80, $0x38;
	[tilespmem:$0x8300] =	vst v63  }
0xc6: {  	s16 =	sadd.s32 $0x40, s13;
	s17 =	simm.s32 $0x6BA0  }
0xc7: {  	[hbm4b:s16+s2] =	stream.linear.scatter [tilespmem:s17], [sflag:$0x3], $0x80, $0x38;
	[tilespmem:$0x8300] =	vst v63  }
0xc8: {  	s16 =	sadd.s32 $0x50, s13;
	s17 =	simm.s32 $0x6C28  }
0xc9: {  	[hbm4b:s16+s2] =	stream.linear.scatter [tilespmem:s17], [sflag:$0x3], $0x80, $0x38;
	[tilespmem:$0x8300] =	vst v63  }
0xca: {  	s16 =	sadd.s32 $0x60, s13;
	s17 =	simm.s32 $0x6CB0  }
0xcb: {  	[hbm4b:s16+s2] =	stream.linear.scatter [tilespmem:s17], [sflag:$0x3], $0x80, $0x38;
	[tilespmem:$0x8300] =	vst v63  }
0xcc: {  	s12 =	sor.u32 $0xC000, s12;
	s13 =	sadd.s32 $0x70, s13;
	s17 =	simm.s32 $0x6D38  }
0xcd: {  	[hbm4b:s13+s2] =	stream.linear.scatter [tilespmem:s17], [sflag:$0x3], $0x80, $0x38;
	[tilespmem:$0x8300] =	vst v63  }
0xce: {  	s12 =	sadd.s32 s1, s12;
	s17 =	simm.s32 $0x6DC0  }
0xcf: {  	[hbm4b:s12+s2] =	stream.linear.scatter [tilespmem:s17], [sflag:$0x3], $0x80, $0x38;
	[tilespmem:$0x8300] =	vst v63  }
0xd0: {  	s16 =	sadd.s32 $0x10, s12;
	s17 =	simm.s32 $0x6E48  }
0xd1: {  	[hbm4b:s16+s2] =	stream.linear.scatter [tilespmem:s17], [sflag:$0x3], $0x80, $0x38;
	[tilespmem:$0x8300] =	vst v63  }
0xd2: {  	s16 =	sadd.s32 $0x20, s12;
	s17 =	simm.s32 $0x6ED0  }
0xd3: {  	[hbm4b:s16+s2] =	stream.linear.scatter [tilespmem:s17], [sflag:$0x3], $0x80, $0x38;
	[tilespmem:$0x8300] =	vst v63  }
0xd4: {  	s16 =	sadd.s32 $0x30, s12;
	s17 =	simm.s32 $0x6F58  }
0xd5: {  	[hbm4b:s16+s2] =	stream.linear.scatter [tilespmem:s17], [sflag:$0x3], $0x80, $0x38;
	[tilespmem:$0x8300] =	vst v63  }
0xd6: {  	s16 =	sadd.s32 $0x40, s12;
	s17 =	simm.s32 $0x6FE0  }
0xd7: {  	[hbm4b:s16+s2] =	stream.linear.scatter [tilespmem:s17], [sflag:$0x3], $0x80, $0x38;
	[tilespmem:$0x8300] =	vst v63  }
0xd8: {  	p1 =	sne.s32 s8, $0x18;
	s16 =	sadd.s32 $0x50, s12;
	s17 =	simm.s32 $0x7068  }
0xd9: {  	[hbm4b:s16+s2] =	stream.linear.scatter [tilespmem:s17], [sflag:$0x3], $0x80, $0x38;
	[tilespmem:$0x8300] =	vst v63  }
.Ltmp1:
0xda: {  	_ = 	snop;
	(pc) =	sbr.rel @p1 .LBB2_7-.Ltmp1, $4  }
0xdb: {  	s16 =	sadd.s32 $0x60, s12;
	s17 =	simm.s32 $0x70F0  }
0xdc: {  	[hbm4b:s16+s2] =	stream.linear.scatter [tilespmem:s17], [sflag:$0x3], $0x80, $0x38;
	[tilespmem:$0x8300] =	vst v63  }
0xdd: {  	s12 =	sadd.s32 $0x70, s12;
	s17 =	simm.s32 $0x7178  }
0xde: {  	[hbm4b:s12+s2] =	stream.linear.scatter [tilespmem:s17], [sflag:$0x3], $0x80, $0x38;
	[tilespmem:$0x8300] =	vst v63  }
.Ltmp2:
0xdf: {  	(pc) =	sbr.rel .LBB2_8-.Ltmp2, $4  }
0xe0: {  	_ = 	snop  }
0xe1: {  	_ =	swait.ge [sflag:s22], $0x1000  }
0xe2: {  	[sflag:s22] =	ssyncset.done $0x0  }
0xe3: {  	[sflag:s22] =	ssyncadd.s32 $0xFFFFF000  }
.LBB2_7:
0xe4: {  	s11 =	sadd.s32 $0x2, s11  }
0xe5: {  	v10 =	vor.u32 s11, v0;
	_ =	sdelay $0x4  }
0xe6: {  	v10 =	vld.idx.msk [tilespmem:v10+s2+$0x0], $0xffff;
	_ =	sdelay $0x4  }
0xe7: {  	v12 =	vor.u32 s11, v1;
	v11 =	vshll.u32 v10, $0x2  }
0xe8: {  	v13 =	vand.u32 $0xFFFF8000, v10;
	v10 =	vshrl.u32 v10, $0xD;
	v11 =	vand.u32 $0x7FFC, v11  }
0xe9: {  	v10 =	vand.u32 $0x3, v10;
	v11 =	vor.u32 v13, v11  }
0xea: {  	v10 =	vor.u32 v10, v11  }
0xeb: {  	[tilespmem:$0x4000] =	vst v10  }
0xec: {  	v10 =	vld.idx.msk [tilespmem:v12+s2+$0x0], $0xffff;
	_ =	sdelay $0x4  }
0xed: {  	v52 =	vor.u32 s11, v2;
	v11 =	vshll.u32 v10, $0x2  }
0xee: {  	v53 =	vand.u32 $0xFFFF8000, v10;
	v10 =	vshrl.u32 v10, $0xD;
	v11 =	vand.u32 $0x7FFC, v11  }
0xef: {  	v10 =	vand.u32 $0x3, v10;
	v11 =	vor.u32 v53, v11  }
0xf0: {  	v10 =	vor.u32 v10, v11  }
0xf1: {  	[tilespmem:$0x4010] =	vst v10  }
0xf2: {  	v10 =	vld.idx.msk [tilespmem:v52+s2+$0x0], $0xffff;
	_ =	sdelay $0x4  }
0xf3: {  	v54 =	vor.u32 s11, v4;
	v11 =	vshll.u32 v10, $0x2  }
0xf4: {  	v55 =	vand.u32 $0xFFFF8000, v10;
	v10 =	vshrl.u32 v10, $0xD;
	v11 =	vand.u32 $0x7FFC, v11  }
0xf5: {  	v10 =	vand.u32 $0x3, v10;
	v11 =	vor.u32 v55, v11  }
0xf6: {  	v10 =	vor.u32 v10, v11  }
0xf7: {  	[tilespmem:$0x4020] =	vst v10  }
0xf8: {  	v10 =	vld.idx.msk [tilespmem:v54+s2+$0x0], $0xffff;
	_ =	sdelay $0x4  }
0xf9: {  	v56 =	vor.u32 s11, v5;
	v11 =	vshll.u32 v10, $0x2  }
0xfa: {  	v57 =	vand.u32 $0xFFFF8000, v10;
	v10 =	vshrl.u32 v10, $0xD;
	v11 =	vand.u32 $0x7FFC, v11  }
0xfb: {  	v10 =	vand.u32 $0x3, v10;
	v11 =	vor.u32 v57, v11  }
0xfc: {  	v10 =	vor.u32 v10, v11  }
0xfd: {  	[tilespmem:$0x4030] =	vst v10  }
0xfe: {  	v10 =	vld.idx.msk [tilespmem:v56+s2+$0x0], $0xffff;
	_ =	sdelay $0x4  }
0xff: {  	v58 =	vor.u32 s11, v6;
	v11 =	vshll.u32 v10, $0x2  }
0x100: {  	v59 =	vand.u32 $0xFFFF8000, v10;
	v10 =	vshrl.u32 v10, $0xD;
	v11 =	vand.u32 $0x7FFC, v11  }
0x101: {  	v10 =	vand.u32 $0x3, v10;
	v11 =	vor.u32 v59, v11  }
0x102: {  	v10 =	vor.u32 v10, v11  }
0x103: {  	[tilespmem:$0x4040] =	vst v10  }
0x104: {  	v10 =	vld.idx.msk [tilespmem:v58+s2+$0x0], $0xffff;
	_ =	sdelay $0x4  }
0x105: {  	v60 =	vor.u32 s11, v7;
	v11 =	vshll.u32 v10, $0x2  }
0x106: {  	v61 =	vand.u32 $0xFFFF8000, v10;
	v10 =	vshrl.u32 v10, $0xD;
	v11 =	vand.u32 $0x7FFC, v11  }
0x107: {  	v10 =	vand.u32 $0x3, v10;
	v11 =	vor.u32 v61, v11  }
0x108: {  	v10 =	vor.u32 v10, v11  }
0x109: {  	[tilespmem:$0x4050] =	vst v10  }
0x10a: {  	v10 =	vld.idx.msk [tilespmem:v60+s2+$0x0], $0xffff;
	_ =	sdelay $0x4  }
0x10b: {  	v62 =	vor.u32 s11, v8;
	v11 =	vshll.u32 v10, $0x2  }
0x10c: {  	v63 =	vand.u32 $0xFFFF8000, v10;
	v10 =	vshrl.u32 v10, $0xD;
	v11 =	vand.u32 $0x7FFC, v11  }
0x10d: {  	v10 =	vand.u32 $0x3, v10;
	v11 =	vor.u32 v63, v11  }
0x10e: {  	v10 =	vor.u32 v10, v11  }
0x10f: {  	[tilespmem:$0x4060] =	vst v10  }
0x110: {  	v10 =	vld.idx.msk [tilespmem:v62+s2+$0x0], $0xffff;
	_ =	sdelay $0x4  }
0x111: {  	v11 =	vshll.u32 v10, $0x2  }
0x112: {  	v12 =	vand.u32 $0xFFFF8000, v10;
	v10 =	vshrl.u32 v10, $0xD;
	v11 =	vand.u32 $0x7FFC, v11  }
0x113: {  	v10 =	vand.u32 $0x3, v10;
	v11 =	vor.u32 v12, v11  }
0x114: {  	v10 =	vor.u32 v10, v11  }
.Ltmp3:
0x115: {  	s17 =	simm.s32 $0x4000;
	s12 =	simm.s32 $0x4100;
	[tilespmem:$0x4070] =	vst v10;
	(pc) =	sbr.rel @p0 .LBB2_9-.Ltmp3, $4  }
0x116: {  	[tilespmem:s12], [sflag:$0x1] =	stream.indirect.gather [hbm4b:s5+s9], $0x20, s17, s9, $0xb8;
	[tilespmem:$0x8300] =	vst v63  }
0x117: {  	_ =	swait.ge [sflag:s22], $0x1000  }
0x118: {  	[sflag:s22] =	ssyncset.done $0x0  }
0x119: {  	[sflag:s22] =	ssyncadd.s32 $0xFFFFF000  }
.LBB2_8:
0x11a: {  	_ =	swait.ge [sflag:s23], $0x400  }
0x11b: {  	[sflag:s23] =	ssyncset.done $0x0  }
0x11c: {  	[sflag:s23] =	ssyncadd.s32 $0xFFFFFC00  }
0x11d: {  	_ =	swait.ge [sflag:s23], $0x400  }
0x11e: {  	[sflag:s23] =	ssyncset.done $0x0  }
0x11f: {  	[sflag:s23] =	ssyncadd.s32 $0xFFFFFC00  }
0x120: {  	_ =	swait.ge [sflag:s23], $0x400  }
0x121: {  	[sflag:s23] =	ssyncset.done $0x0  }
0x122: {  	[sflag:s23] =	ssyncadd.s32 $0xFFFFFC00  }
0x123: {  	_ =	swait.ge [sflag:s23], $0x400  }
0x124: {  	[sflag:s23] =	ssyncset.done $0x0  }
0x125: {  	[sflag:s23] =	ssyncadd.s32 $0xFFFFFC00  }
.LBB2_9:
0x126: {  	s11 =	simm.s32 $0x0  }
0x127: {  	v10 =	vmov s11  }
0x128: {  	s11 =	simm.s32 $0x5110;
	v11 =	vand.u32 $0x7F, v10  }
0x129: {  	v10 =	vld [tilespmem:s11+$0xFFFFFFF0];
	v12 =	vadd.s32 v3, v11;
	_ =	sdelay $0x4  }
0x12a: {  	[tilespmem:v12+s24+$0x0] =	vst.idx.msk $0xffff, v10  }
0x12b: {  	v11 =	vadd.s32 v9, v11;
	v10 =	vld [tilespmem:s11+$0x0];
	_ =	sdelay $0x2  }
0x12c: {  	s12 =	simm.s32 $0x1  }
0x12d: {  	v12 =	vmov s12;
	s12 =	simm.s32 $0x2  }
.LBB2_10:
0x12e: {  	p0 =	sne.s32 s12, $0x7F;
	v12 =	vand.u32 $0x7F, v12;
	[tilespmem:v11+s24+$0x0] =	vst.idx.msk $0xffff, v10;
	s11 =	sadd.s32 $0x20, s11  }
0x12f: {  	v10 =	vld [tilespmem:s11+$0xFFFFFFF0];
	v11 =	vadd.s32 v3, v12;
	_ =	sdelay $0x4  }
0x130: {  	[tilespmem:v11+s24+$0x0] =	vst.idx.msk $0xffff, v10  }
.Ltmp4:
0x131: {  	v11 =	vadd.s32 v9, v12;
	v10 =	vld [tilespmem:s11+$0x0];
	(pc) =	sbr.rel @p0 .LBB2_10-.Ltmp4, $2  }
0x132: {  	_ =	sdelay $0x2  }
0x133: {  	v12 =	vmov s12;
	s12 =	sadd.s32 $0x1, s12  }
0x134: {  	_ =	sdelay $0x3  }
0x135: {  	v12 =	vand.u32 $0x7F, v12;
	[tilespmem:v11+s24+$0x0] =	vst.idx.msk $0xffff, v10;
	s11 =	sadd.s32 $0x20, s11  }
0x136: {  	v10 =	vld [tilespmem:s11+$0xFFFFFFF0];
	v11 =	vadd.s32 v3, v12;
	_ =	sdelay $0x4  }
0x137: {  	[tilespmem:v11+s24+$0x0] =	vst.idx.msk $0xffff, v10  }
0x138: {  	v11 =	vadd.s32 v9, v12;
	v10 =	vld [tilespmem:s11+$0x0];
	_ =	sdelay $0x1  }
0x139: {  	s10 =	sshll.u32 s10, $0x13  }
0x13a: {  	s10 =	sadd.s32 s6, s10  }
0x13b: {  	s10 =	sshrl.u32 s10, $0x3  }
0x13c: {  	s11 =	sadd.s32 s1, s10;
	[tilespmem:v11+s24+$0x0] =	vst.idx.msk $0xffff, v10  }
0x13d: {  	[hbm4b:s11+s2] =	stream.linear.scatter [tilespmem:s24], [sflag:$0x4], $0x80, $0x38;
	[tilespmem:$0x8300] =	vst v63  }
0x13e: {  	s13 =	simm.s32 $0x7288;
	s12 =	sadd.s32 $0x10, s11  }
0x13f: {  	[hbm4b:s12+s2] =	stream.linear.scatter [tilespmem:s13], [sflag:$0x4], $0x80, $0x38;
	[tilespmem:$0x8300] =	vst v63  }
0x140: {  	s17 =	simm.s32 $0x7310;
	s16 =	sadd.s32 $0x20, s11  }
0x141: {  	[hbm4b:s16+s2] =	stream.linear.scatter [tilespmem:s17], [sflag:$0x4], $0x80, $0x38;
	[tilespmem:$0x8300] =	vst v63  }
0x142: {  	s16 =	sadd.s32 $0x30, s11;
	s17 =	simm.s32 $0x7398  }
0x143: {  	[hbm4b:s16+s2] =	stream.linear.scatter [tilespmem:s17], [sflag:$0x4], $0x80, $0x38;
	[tilespmem:$0x8300] =	vst v63  }
0x144: {  	s16 =	sadd.s32 $0x40, s11;
	s17 =	simm.s32 $0x7420  }
0x145: {  	[hbm4b:s16+s2] =	stream.linear.scatter [tilespmem:s17], [sflag:$0x4], $0x80, $0x38;
	[tilespmem:$0x8300] =	vst v63  }
0x146: {  	s16 =	sadd.s32 $0x50, s11;
	s17 =	simm.s32 $0x74A8  }
0x147: {  	[hbm4b:s16+s2] =	stream.linear.scatter [tilespmem:s17], [sflag:$0x4], $0x80, $0x38;
	[tilespmem:$0x8300] =	vst v63  }
0x148: {  	s13 =	sadd.s32 $0x60, s11;
	s16 =	simm.s32 $0x7530  }
0x149: {  	[hbm4b:s13+s2] =	stream.linear.scatter [tilespmem:s16], [sflag:$0x4], $0x80, $0x38;
	[tilespmem:$0x8300] =	vst v63  }
0x14a: {  	s12 =	sor.u32 $0x4000, s10;
	s11 =	sadd.s32 $0x70, s11;
	s17 =	simm.s32 $0x75B8  }
0x14b: {  	[hbm4b:s11+s2] =	stream.linear.scatter [tilespmem:s17], [sflag:$0x4], $0x80, $0x38;
	[tilespmem:$0x8300] =	vst v63  }
0x14c: {  	s13 =	simm.s32 $0x7640;
	s11 =	sadd.s32 s1, s12  }
0x14d: {  	[hbm4b:s11+s2] =	stream.linear.scatter [tilespmem:s13], [sflag:$0x4], $0x80, $0x38;
	[tilespmem:$0x8300] =	vst v63  }
0x14e: {  	s17 =	simm.s32 $0x76C8;
	s16 =	sadd.s32 $0x10, s11  }
0x14f: {  	[hbm4b:s16+s2] =	stream.linear.scatter [tilespmem:s17], [sflag:$0x4], $0x80, $0x38;
	[tilespmem:$0x8300] =	vst v63  }
0x150: {  	s16 =	sadd.s32 $0x20, s11;
	s17 =	simm.s32 $0x7750  }
0x151: {  	[hbm4b:s16+s2] =	stream.linear.scatter [tilespmem:s17], [sflag:$0x4], $0x80, $0x38;
	[tilespmem:$0x8300] =	vst v63  }
0x152: {  	s16 =	sadd.s32 $0x30, s11;
	s17 =	simm.s32 $0x77D8  }
0x153: {  	[hbm4b:s16+s2] =	stream.linear.scatter [tilespmem:s17], [sflag:$0x4], $0x80, $0x38;
	[tilespmem:$0x8300] =	vst v63  }
0x154: {  	s16 =	sadd.s32 $0x40, s11;
	s17 =	simm.s32 $0x7860  }
0x155: {  	[hbm4b:s16+s2] =	stream.linear.scatter [tilespmem:s17], [sflag:$0x4], $0x80, $0x38;
	[tilespmem:$0x8300] =	vst v63  }
0x156: {  	s16 =	sadd.s32 $0x50, s11;
	s17 =	simm.s32 $0x78E8  }
0x157: {  	[hbm4b:s16+s2] =	stream.linear.scatter [tilespmem:s17], [sflag:$0x4], $0x80, $0x38;
	[tilespmem:$0x8300] =	vst v63  }
0x158: {  	s13 =	sadd.s32 $0x60, s11;
	s16 =	simm.s32 $0x7970  }
0x159: {  	[hbm4b:s13+s2] =	stream.linear.scatter [tilespmem:s16], [sflag:$0x4], $0x80, $0x38;
	[tilespmem:$0x8300] =	vst v63  }
0x15a: {  	s12 =	sor.u32 $0x8000, s10;
	s11 =	sadd.s32 $0x70, s11;
	s17 =	simm.s32 $0x79F8  }
0x15b: {  	[hbm4b:s11+s2] =	stream.linear.scatter [tilespmem:s17], [sflag:$0x4], $0x80, $0x38;
	[tilespmem:$0x8300] =	vst v63  }
0x15c: {  	s13 =	simm.s32 $0x7A80;
	s11 =	sadd.s32 s1, s12  }
0x15d: {  	[hbm4b:s11+s2] =	stream.linear.scatter [tilespmem:s13], [sflag:$0x4], $0x80, $0x38;
	[tilespmem:$0x8300] =	vst v63  }
0x15e: {  	s17 =	simm.s32 $0x7B08;
	s16 =	sadd.s32 $0x10, s11  }
0x15f: {  	[hbm4b:s16+s2] =	stream.linear.scatter [tilespmem:s17], [sflag:$0x4], $0x80, $0x38;
	[tilespmem:$0x8300] =	vst v63  }
0x160: {  	s16 =	sadd.s32 $0x20, s11;
	s17 =	simm.s32 $0x7B90  }
0x161: {  	[hbm4b:s16+s2] =	stream.linear.scatter [tilespmem:s17], [sflag:$0x4], $0x80, $0x38;
	[tilespmem:$0x8300] =	vst v63  }
0x162: {  	s13 =	sadd.s32 $0x30, s11  }
0x163: {  	[hbm4b:s13+s2] =	stream.linear.scatter [tilespmem:s18], [sflag:$0x4], $0x80, $0x38;
	[tilespmem:$0x8300] =	vst v63  }
0x164: {  	s16 =	sadd.s32 $0x40, s11  }
0x165: {  	[hbm4b:s16+s2] =	stream.linear.scatter [tilespmem:s19], [sflag:$0x4], $0x80, $0x38;
	[tilespmem:$0x8300] =	vst v63  }
0x166: {  	s17 =	sadd.s32 $0x50, s11  }
0x167: {  	[hbm4b:s17+s2] =	stream.linear.scatter [tilespmem:s20], [sflag:$0x4], $0x80, $0x38;
	[tilespmem:$0x8300] =	vst v63  }
0x168: {  	s13 =	sadd.s32 $0x60, s11  }
0x169: {  	[hbm4b:s13+s2] =	stream.linear.scatter [tilespmem:s21], [sflag:$0x4], $0x80, $0x38;
	[tilespmem:$0x8300] =	vst v63  }
0x16a: {  	s10 =	sor.u32 $0xC000, s10;
	s11 =	sadd.s32 $0x70, s11  }
0x16b: {  	[hbm4b:s11+s2] =	stream.linear.scatter [tilespmem:s25], [sflag:$0x4], $0x80, $0x38;
	[tilespmem:$0x8300] =	vst v63  }
0x16c: {  	s10 =	sadd.s32 s1, s10  }
0x16d: {  	[hbm4b:s10+s2] =	stream.linear.scatter [tilespmem:s26], [sflag:$0x4], $0x80, $0x38;
	[tilespmem:$0x8300] =	vst v63  }
0x16e: {  	s16 =	sadd.s32 $0x10, s10  }
0x16f: {  	[hbm4b:s16+s2] =	stream.linear.scatter [tilespmem:s28], [sflag:$0x4], $0x80, $0x38;
	[tilespmem:$0x8300] =	vst v63  }
0x170: {  	s17 =	sadd.s32 $0x20, s10  }
0x171: {  	[hbm4b:s17+s2] =	stream.linear.scatter [tilespmem:s29], [sflag:$0x4], $0x80, $0x38;
	[tilespmem:$0x8300] =	vst v63  }
0x172: {  	s12 =	sadd.s32 $0x30, s10  }
0x173: {  	[hbm4b:s12+s2] =	stream.linear.scatter [tilespmem:s30], [sflag:$0x4], $0x80, $0x38;
	[tilespmem:$0x8300] =	vst v63  }
0x174: {  	s8 =	sadd.s32 $0x1, s8;
	s13 =	sadd.s32 $0x40, s10  }
0x175: {  	[hbm4b:s13+s2] =	stream.linear.scatter [tilespmem:s31], [sflag:$0x4], $0x80, $0x38;
	[tilespmem:$0x8300] =	vst v63  }
0x176: {  	p0 =	sne.s32 s8, $0x19;
	s16 =	sadd.s32 $0x50, s10  }
0x177: {  	[hbm4b:s16+s2] =	stream.linear.scatter [tilespmem:s0], [sflag:$0x4], $0x80, $0x38;
	[tilespmem:$0x8300] =	vst v63  }
.Ltmp5:
0x178: {  	_ = 	snop;
	(pc) =	sbr.rel @p0 .LBB2_3-.Ltmp5, $4  }
0x179: {  	s17 =	sadd.s32 $0x60, s10  }
0x17a: {  	[hbm4b:s17+s2] =	stream.linear.scatter [tilespmem:s3], [sflag:$0x4], $0x80, $0x38;
	[tilespmem:$0x8300] =	vst v63  }
0x17b: {  	s10 =	sadd.s32 $0x70, s10  }
0x17c: {  	[hbm4b:s10+s2] =	stream.linear.scatter [tilespmem:s7], [sflag:$0x4], $0x80, $0x38;
	[tilespmem:$0x8300] =	vst v63  }
0x17d: {  	s4 =	simm.s32 $0x3  }
0x17e: {  	_ =	swait.ge [sflag:s4], $0x400  }
0x17f: {  	[sflag:s4] =	ssyncset.done $0x0  }
0x180: {  	[sflag:s4] =	ssyncadd.s32 $0xFFFFFC00  }
0x181: {  	_ =	swait.ge [sflag:s4], $0x400  }
0x182: {  	[sflag:s4] =	ssyncset.done $0x0  }
0x183: {  	[sflag:s4] =	ssyncadd.s32 $0xFFFFFC00  }
0x184: {  	_ =	swait.ge [sflag:s4], $0x400  }
0x185: {  	[sflag:s4] =	ssyncset.done $0x0  }
0x186: {  	[sflag:s4] =	ssyncadd.s32 $0xFFFFFC00  }
0x187: {  	_ =	swait.ge [sflag:s4], $0x400  }
0x188: {  	[sflag:s4] =	ssyncset.done $0x0  }
0x189: {  	[sflag:s4] =	ssyncadd.s32 $0xFFFFFC00  }
0x18a: {  	_ =	swait.ge [sflag:s23], $0x400  }
0x18b: {  	[sflag:s23] =	ssyncset.done $0x0  }
0x18c: {  	[sflag:s23] =	ssyncadd.s32 $0xFFFFFC00  }
0x18d: {  	_ =	swait.ge [sflag:s23], $0x400  }
0x18e: {  	[sflag:s23] =	ssyncset.done $0x0  }
0x18f: {  	[sflag:s23] =	ssyncadd.s32 $0xFFFFFC00  }
0x190: {  	_ =	swait.ge [sflag:s23], $0x400  }
0x191: {  	[sflag:s23] =	ssyncset.done $0x0  }
0x192: {  	[sflag:s23] =	ssyncadd.s32 $0xFFFFFC00  }
0x193: {  	_ =	swait.ge [sflag:s23], $0x400  }
0x194: {  	s6 =	rddreg [dreg:$0x7]  }
0x195: {  	s6 =	sadd.s32 $0x1, s6  }
0x196: {  	p0 =	sne.s32 s6, $0x4  }
.Ltmp6:
0x197: {  	_ = 	snop;
	(pc) =	sbr.rel @p0 .LBB2_2-.Ltmp6, $3  }
0x198: {  	_ =	sdelay $0x1  }
0x199: {  	[sflag:s23] =	ssyncset.done $0x0  }
0x19a: {  	[sflag:s23] =	ssyncadd.s32 $0xFFFFFC00  }
0x19b: {  	s6 =	rddreg [dreg:$0x6]  }
0x19c: {  	s4 =	rddreg [dreg:$0x5];
	s6 =	sadd.s32 $0x1, s6  }
0x19d: {  	p0 =	sne.s32 s6, s4  }
.Ltmp7:
0x19e: {  	_ = 	snop;
	(pc) =	sbr.rel @p0 .LBB2_1-.Ltmp7, $1  }
0x19f: {  	_ =	sdelay $0x3  }
0x1a0: {  	_ =	sfence.sel $0x180000  }
0x1a1: {  	[bflag:$0x0] =	sbarrier.arrive $0xFFFF  }
0x1a2: {  	_ =	strace $0x90000047  }
0x1a3: {  	s0 =	stileid.u32;
	[bflag:$0x2] =	sbarrier.arrive $0xFFFF  }
0x1a4: {  	p0 =	sne.s32 s0, $0x0;
	s0 =	rddreg [dreg:$0x2]  }
0x1a5: {  	s0 =	sadd.s32 @!p0 $0x100000, s0  }
0x1a6: {  	[sflag:s0] =	ssyncadd.tile.s32 @!p0 $0x1;
	_ =	shalt  }
.Lfunc_end2:
_tile_overlayer_lowered:
.L_overlay_start_2:
0x1a7: {  	(tag) =	ssettag $0x2  }
0x1a8: {  	s0 =	rddreg [dreg:$0x0];
	s2 =	stileid.u32  }
0x1a9: {  	s1 =	rddreg [dreg:$0x1];
	p0 =	sne.s32 s2, $0x0  }
0x1aa: {  	s3 =	rddreg [dreg:$0x2];
	[bflag:$0x3] =	sbarrier.arrive $0xFFFF;
	s2 =	simm.s32 @!p0 $0x1C05  }
0x1ab: {  	[timem:s3], [sflag:s2] =	dma.local @!p0 [hbm:s0], s1  }
0x1ac: {  	s0 =	simm.s32 @!p0 $0x5  }
0x1ad: {  	_ =	swait.ge @!p0 [sflag:s0], s1  }
0x1ae: {  	s1 =	ssub.s32 @!p0 $0x0, s1;
	[sflag:s0] =	ssyncset.done @!p0 $0x0  }
0x1af: {  	[sflag:s0] =	ssyncadd.s32 @!p0 s1  }
0x1b0: {  	[bflag:$0x3] =	sbarrier.arrive $0xFFFF  }
0x1b1: {  	_ =	shalt  }

</sc_bundles>
